<compile_context>
chip_gen: v7x
topology: tpu7x:2x2x1
jax: 0.10.2.dev20260603
libtpu: 0.0.44.dev20260713+nightly
codegen_flags: <defaults>
</compile_context>

<pallas_src>
import functools

import jax
import jax.numpy as jnp
import numpy as np
from jax import lax
from jax.experimental import pallas as pl
from jax.experimental.pallas import tpu as pltpu
from jax.experimental.pallas import tpu_sc as plsc

B, N, C = 2, 4096, 128
K = int(np.clip(np.exp(np.log(16.0)), 4.0, 32.0).round())
QB = 256
XP = 8
CP1P = 136


def _tc1_body(xq_ref, xyzT_ref, xyzp_ref, idx_ref, dist_ref):
    b = pl.program_id(0)
    xq = xq_ref[0]
    xyzT = xyzT_ref[0]
    xyzp = xyzp_ref[0]

    sq_k = jnp.sum(xyzT * xyzT, axis=0, keepdims=True)
    sq_q = jnp.sum(xq * xq, axis=1, keepdims=True)
    cross = jnp.dot(xq, xyzT, preferred_element_type=jnp.float32)
    d2 = jnp.maximum(sq_q + sq_k - 2.0 * cross, 0.0)

    iota = lax.broadcasted_iota(jnp.int32, (QB, N), 1)
    t = d2
    firsts = []
    nxs = []
    self_idx = (pl.program_id(1) * QB
                + lax.broadcasted_iota(jnp.int32, (QB, 1), 0))
    for j in range(K):
        if j == 0:
            first = self_idx
        else:
            first = jnp.argmin(t, axis=1, keepdims=True)
        msk = iota == first
        t = jnp.where(msk, jnp.inf, t)
        nx = jnp.dot(msk.astype(jnp.float32), xyzp,
                     preferred_element_type=jnp.float32)
        firsts.append(first)
        nxs.append(nx)

    mean = nxs[0]
    for nx in nxs[1:]:
        mean = mean + nx
    mean = mean / float(K)
    offs = [nx - mean for nx in nxs]
    var = offs[0] * offs[0]
    for off in offs[1:]:
        var = var + off * off
    var = var / float(K - 1)
    sigma = jnp.sqrt(var) + 1e-6
    dists = [
        jnp.sqrt(jnp.sum((off / sigma) ** 2, axis=1, keepdims=True))
        for off in offs
    ]
    dist_ref[0] = jnp.concatenate(dists, axis=1)
    idx_ref[0] = jnp.concatenate(firsts, axis=1) + b * N


def _tc1_call(xyz, xyzT, xyzp, interpret=False):
    grid = (B, N // QB)
    return pl.pallas_call(
        _tc1_body,
        grid=grid,
        in_specs=[
            pl.BlockSpec((1, QB, 3), lambda b, q: (b, q, 0)),
            pl.BlockSpec((1, 3, N), lambda b, q: (b, 0, 0)),
            pl.BlockSpec((1, N, XP), lambda b, q: (b, 0, 0)),
        ],
        out_specs=[
            pl.BlockSpec((1, QB, K), lambda b, q: (b, q, 0)),
            pl.BlockSpec((1, QB, K), lambda b, q: (b, q, 0)),
        ],
        out_shape=[
            jax.ShapeDtypeStruct((B, N, K), jnp.int32),
            jax.ShapeDtypeStruct((B, N, K), jnp.float32),
        ],
        interpret=interpret,
    )(xyz, xyzT, xyzp)



_NW = 32
_ROWS = B * N * K
_RPW = _ROWS // _NW
_CHUNK = 128
_NCH = _RPW // _CHUNK


def _sc_gather(table, idx3):
    mesh = plsc.VectorSubcoreMesh(core_axis_name="c", subcore_axis_name="s")

    @functools.partial(
        pl.kernel,
        mesh=mesh,
        out_type=jax.ShapeDtypeStruct((_ROWS, C), jnp.float32),
        scratch_types=[
            pltpu.VMEM((_NCH, _CHUNK), jnp.int32),
            pltpu.VMEM((_CHUNK, C), jnp.float32),
            pltpu.VMEM((_CHUNK, C), jnp.float32),
            pltpu.SemaphoreType.DMA,
            pltpu.SemaphoreType.DMA,
        ],
    )
    def run(table_hbm, idx_hbm, out_hbm, idx_v, rows0, rows1, sem0, sem1):
        wid = lax.axis_index("s") * 2 + lax.axis_index("c")
        pltpu.sync_copy(idx_hbm.at[wid], idx_v)
        rows = (rows0, rows1)
        sems = (sem0, sem1)
        pltpu.async_copy(table_hbm.at[idx_v.at[0]], rows0, sem0)

        def body(ci, carry):
            for par in range(2):
                @pl.when(lax.rem(ci, 2) == par)
                def _():
                    @pl.when(ci + 1 < _NCH)
                    def _():
                        pltpu.async_copy(table_hbm.at[idx_v.at[ci + 1]],
                                         rows[1 - par], sems[1 - par])
                    pltpu.make_async_copy(table_hbm.at[idx_v.at[ci]],
                                          rows[par], sems[par]).wait()
                    base = wid * _RPW + ci * _CHUNK
                    pltpu.sync_copy(rows[par], out_hbm.at[pl.ds(base, _CHUNK)])
            return carry

        lax.fori_loop(0, _NCH, body, 0)

    return run(table, idx3)



def _tc2_body(g_ref, fq_ref, dist_ref, w1t_ref, b1_ref, w2t_ref, b2_ref, out_ref):
    g = g_ref[...]
    fq = fq_ref[0]
    dist2 = dist_ref[0]

    fq_rep = jnp.broadcast_to(fq[:, None, :], (QB, K, C)).reshape(QB * K, C)
    df = g - fq_rep
    mu = jnp.mean(df, axis=1, keepdims=True)
    var = jnp.mean((df - mu) * (df - mu), axis=1, keepdims=True)
    delta = (df - mu) / jnp.sqrt(var + 1e-5)
    delta3 = delta.reshape(QB, K, C)

    acc = None
    for j in range(K):
        wj = jnp.exp(-0.5 * dist2[:, j:j + 1])
        term = delta3[:, j, :] * wj
        acc = term if acc is None else acc + term
    fused_f = acc / float(K)
    fused_d = jnp.mean(dist2, axis=1, keepdims=True)
    fused = jnp.concatenate(
        [fused_f, fused_d, jnp.zeros((QB, CP1P - C - 1), jnp.float32)], axis=1
    )

    h = jnp.dot(fused, w1t_ref[...], preferred_element_type=jnp.float32)
    h = h + b1_ref[...]
    h = 0.5 * h * (1.0 + lax.erf(h * np.float32(1.0 / np.sqrt(2.0))))
    out = jnp.dot(h, w2t_ref[...], preferred_element_type=jnp.float32)
    out_ref[0] = out + b2_ref[...]


def _tc2_call(gathered, feat, dist, w1t_pad, b1r, w2t, b2r, interpret=False):
    grid = (B, N // QB)
    return pl.pallas_call(
        _tc2_body,
        grid=grid,
        in_specs=[
            pl.BlockSpec((QB * K, C), lambda b, q: (b * (N // QB) + q, 0)),
            pl.BlockSpec((1, QB, C), lambda b, q: (b, q, 0)),
            pl.BlockSpec((1, QB, K), lambda b, q: (b, q, 0)),
            pl.BlockSpec((CP1P, C), lambda b, q: (0, 0)),
            pl.BlockSpec((1, C), lambda b, q: (0, 0)),
            pl.BlockSpec((C, C), lambda b, q: (0, 0)),
            pl.BlockSpec((1, C), lambda b, q: (0, 0)),
        ],
        out_specs=pl.BlockSpec((1, QB, C), lambda b, q: (b, q, 0)),
        out_shape=jax.ShapeDtypeStruct((B, N, C), jnp.float32),
        interpret=interpret,
    )(gathered, feat, dist, w1t_pad, b1r, w2t, b2r)


def kernel(xyz, feat, logk, W1, b1, W2, b2):
    del logk
    xyzT = jnp.transpose(xyz, (0, 2, 1))
    xyzp = jnp.concatenate(
        [xyz, jnp.zeros((B, N, XP - 3), jnp.float32)], axis=2
    )

    idx, dist = _tc1_call(xyz, xyzT, xyzp)

    table = feat.reshape(B * N, C)
    idx3 = idx.reshape(_NW, _NCH, _CHUNK)
    gathered = _sc_gather(table, idx3)

    w1t_pad = jnp.zeros((CP1P, C), jnp.float32).at[: C + 1].set(W1.T)
    out = _tc2_call(
        gathered, feat, dist,
        w1t_pad, b1.reshape(1, C), W2.T, b2.reshape(1, C),
    )
    return out

# --- scband reference (transcript-rebuilt; emitter-appended) ---
"""Pipeline reference for scband-lgp-22892175688205 (READ-ONLY COPY).

The authoritative reference and input builder live on the scoring server;
editing this copy changes nothing except your own understanding.
"""

import jax, jax.numpy as jnp
import numpy as np

B, N, C = 2, 4096, 128

def setup_inputs(seed: int = 0) -> dict:
    key = jax.random.key(seed)
    ks = jax.random.split(key, 6)
    xyz = jax.random.normal(ks[0], (B, N, 3), dtype=jnp.float32)
    feat = jax.random.normal(ks[1], (B, N, C), dtype=jnp.float32)
    logk = jnp.log(jnp.asarray(16.0, dtype=jnp.float32))
    lim1 = 1.0 / np.sqrt(C + 1)
    W1 = jax.random.uniform(ks[2], (C, C + 1), minval=-lim1, maxval=lim1, dtype=jnp.float32)
    b1 = jax.random.uniform(ks[3], (C,), minval=-lim1, maxval=lim1, dtype=jnp.float32)
    lim2 = 1.0 / np.sqrt(C)
    W2 = jax.random.uniform(ks[4], (C, C), minval=-lim2, maxval=lim2, dtype=jnp.float32)
    b2 = jax.random.uniform(ks[5], (C,), minval=-lim2, maxval=lim2, dtype=jnp.float32)
    return {"xyz": xyz, "feat": feat, "logk": logk, "W1": W1, "b1": b1, "W2": W2, "b2": b2}

def reference(xyz, feat, logk, W1, b1, W2, b2):
    # k is derived from the concrete parameter value (torch uses .item(), breaking the graph)
    k = int(np.clip(np.exp(np.log(16.0)), 4.0, 32.0).round())
    # pairwise distances (cdist) via gram trick; indices carry no gradient
    sq = jnp.sum(xyz * xyz, axis=-1)
    d2 = sq[:, :, None] + sq[:, None, :] - 2.0 * jnp.einsum('bnd,bmd->bnm', xyz, xyz)
    d = jnp.sqrt(jnp.maximum(d2, 0.0)) + 0.0 * logk
    _, idx = jax.lax.top_k(-jax.lax.stop_gradient(d), k)  # k smallest distances
    bidx = jnp.arange(xyz.shape[0])[:, None, None]
    neigh_f = feat[bidx, idx]              # [B, N, k, C]  (gather)
    neigh_x = xyz[bidx, idx]               # [B, N, k, 3]  (gather)
    df = neigh_f - feat[:, :, None, :]
    mu = jnp.mean(df, axis=-1, keepdims=True)
    var = jnp.var(df, axis=-1, keepdims=True)
    delta_f = (df - mu) / jnp.sqrt(var + 1e-5)  # F.layer_norm, no affine, eps=1e-5
    offset = neigh_x - jnp.mean(neigh_x, axis=2, keepdims=True)
    sigma = jnp.std(offset, axis=2, keepdims=True, ddof=1) + 1e-6  # torch std is unbiased
    dist = jnp.linalg.norm(offset / sigma, axis=-1, keepdims=True)
    w = jnp.exp(-0.5 * dist)
    fused = jnp.mean(jnp.concatenate([delta_f * w, dist], axis=-1), axis=2)  # [B, N, C+1]
    h = jax.nn.gelu(fused @ W1.T + b1, approximate=False)
    return h @ W2.T + b2

if __name__ == "__main__":
    import jax
    _d = setup_inputs()
    print(jax.jit(kernel)(*tuple(_d.values())))

</pallas_src>

<mosaic_0001>
#map = affine_map<(d0, d1) -> (0, 0)>
#map1 = affine_map<(d0, d1) -> (0, 0, 0)>
module attributes {stable_mosaic.version = 14 : i64} {
  func.func @run(%arg0: i32, %arg1: i32, %arg2: memref<8192x128xf32, #tpu.memory_space<hbm>>, %arg3: memref<32x32x128xi32, #tpu.memory_space<hbm>>, %arg4: memref<131072x128xf32, #tpu.memory_space<hbm>>, %arg5: memref<32x128xi32, #tpu.memory_space<vmem>>, %arg6: memref<128x128xf32, #tpu.memory_space<vmem>>, %arg7: memref<128x128xf32, #tpu.memory_space<vmem>>, %arg8: memref<!tpu.dma_semaphore, #tpu.memory_space<semaphore_mem>>, %arg9: memref<!tpu.dma_semaphore, #tpu.memory_space<semaphore_mem>>) attributes {dimension_semantics = [#tpu.dimension_semantics<core_parallel>, #tpu.dimension_semantics<subcore_parallel>], iteration_bounds = array<i64: 2, 16>, scalar_prefetch = 0 : i64, scratch_operands = 5 : i64, tpu.core_type = #tpu.core_type<sc_vector_subcore>, window_params = [{transform_indices = #map}, {transform_indices = #map1}, {transform_indices = #map}]} {
    %mul3A = arith.constant 2 : i32
    %mul3A_0 = arith.muli %arg1, %mul3A : i32
    %add3A = arith.addi %mul3A_0, %arg0 : i32
    "tpu.region"() ({
      %run_scoped3A = tpu.sem_alloc : memref<!tpu.dma_semaphore, #tpu.memory_space<semaphore_mem>>
      %dma_start3A_12 = arith.constant 0 : i32
      %dma_start3A_13 = arith.constant 0 : i32
      %dma_start3A_14 = tpu.memref_slice %arg3[%add3A, %dma_start3A_12, %dma_start3A_13] : memref<32x32x128xi32, #tpu.memory_space<hbm>> -> memref<1x32x128xi32, #tpu.memory_space<hbm>>
      %dma_start3A_15 = tpu.memref_squeeze %dma_start3A_14 : memref<1x32x128xi32, #tpu.memory_space<hbm>> -> memref<32x128xi32, #tpu.memory_space<hbm>>
      %dma_start3A_16 = arith.constant 0 : i32
      %dma_start3A_17 = arith.constant 0 : i32
      %dma_start3A_18 = tpu.memref_slice %arg3[%add3A, %dma_start3A_16, %dma_start3A_17] : memref<32x32x128xi32, #tpu.memory_space<hbm>> -> memref<1x32x128xi32, #tpu.memory_space<hbm>>
      %dma_start3A_19 = tpu.memref_squeeze %dma_start3A_18 : memref<1x32x128xi32, #tpu.memory_space<hbm>> -> memref<32x128xi32, #tpu.memory_space<hbm>>
      tpu.enqueue_dma source(%dma_start3A_19 : memref<32x128xi32, #tpu.memory_space<hbm>>) target(%arg5 : memref<32x128xi32, #tpu.memory_space<vmem>>) target_semaphore(%run_scoped3A : memref<!tpu.dma_semaphore, #tpu.memory_space<semaphore_mem>>)
      %dma_wait3A = arith.constant 0 : i32
      %dma_wait3A_20 = arith.constant 0 : i32
      %dma_wait3A_21 = tpu.memref_slice %arg3[%add3A, %dma_wait3A, %dma_wait3A_20] : memref<32x32x128xi32, #tpu.memory_space<hbm>> -> memref<1x32x128xi32, #tpu.memory_space<hbm>>
      %dma_wait3A_22 = tpu.memref_squeeze %dma_wait3A_21 : memref<1x32x128xi32, #tpu.memory_space<hbm>> -> memref<32x128xi32, #tpu.memory_space<hbm>>
      %dma_wait3A_23 = arith.constant 0 : i32
      %dma_wait3A_24 = arith.constant 0 : i32
      %dma_wait3A_25 = tpu.memref_slice %arg3[%add3A, %dma_wait3A_23, %dma_wait3A_24] : memref<32x32x128xi32, #tpu.memory_space<hbm>> -> memref<1x32x128xi32, #tpu.memory_space<hbm>>
      %dma_wait3A_26 = tpu.memref_squeeze %dma_wait3A_25 : memref<1x32x128xi32, #tpu.memory_space<hbm>> -> memref<32x128xi32, #tpu.memory_space<hbm>>
      tpu.wait_dma2 semaphore(%run_scoped3A : memref<!tpu.dma_semaphore, #tpu.memory_space<semaphore_mem>>) src(%dma_wait3A_26 : memref<32x128xi32, #tpu.memory_space<hbm>>) dst(%arg5 : memref<32x128xi32, #tpu.memory_space<vmem>>)
      tpu.yield
    }) : () -> ()
    %dma_start3A = arith.constant 0 : i32
    %dma_start3A_1 = arith.constant 0 : i32
    %dma_start3A_2 = tpu.memref_slice %arg5[%dma_start3A, %dma_start3A_1] : memref<32x128xi32, #tpu.memory_space<vmem>> -> memref<1x128xi32, #tpu.memory_space<vmem>>
    %dma_start3A_3 = tpu.memref_squeeze %dma_start3A_2 : memref<1x128xi32, #tpu.memory_space<vmem>> -> memref<128xi32, #tpu.memory_space<vmem>>
    %dma_start3A_4 = arith.constant 0 : i32
    %dma_start3A_5 = arith.constant 0 : i32
    %dma_start3A_6 = tpu.memref_slice %arg2[%dma_start3A_4, %dma_start3A_5] : memref<8192x128xf32, #tpu.memory_space<hbm>> -> memref<8192x128xf32, #tpu.memory_space<hbm>>
    tpu.enqueue_indirect_dma source(%dma_start3A_6 : memref<8192x128xf32, #tpu.memory_space<hbm>>) target(%arg6 : memref<128x128xf32, #tpu.memory_space<vmem>>) offsets(%dma_start3A_3 : memref<128xi32, #tpu.memory_space<vmem>>) semaphore(%arg8 : memref<!tpu.dma_semaphore, #tpu.memory_space<semaphore_mem>>)
    %scan3A = arith.constant 0 : i32
    %scan3A_7 = arith.constant 0 : i32
    %scan3A_8 = arith.constant 32 : i32
    %scan3A_9 = arith.addi %scan3A_7, %scan3A_8 : i32
    %scan3A_10 = arith.constant 1 : i32
    scf.for %scan3A_12 = %scan3A_7 to %scan3A_9 step %scan3A_10  : i32 {
      %rem3A = arith.constant 2 : i32
      %rem3A_13 = arith.remsi %scan3A_12, %rem3A : i32
      %eq3A = arith.constant 0 : i32
      %eq3A_14 = arith.cmpi eq, %rem3A_13, %eq3A : i32
      %convert_element_type3A = arith.extui %eq3A_14 : i1 to i32
      %cond3A = arith.constant 0 : i32
      %cond3A_15 = arith.cmpi ne, %convert_element_type3A, %cond3A : i32
      scf.if %cond3A_15 {
        %add3A_23 = arith.constant 1 : i32
        %add3A_24 = arith.addi %scan3A_12, %add3A_23 : i32
        %lt3A = arith.constant 32 : i32
        %lt3A_25 = arith.cmpi slt, %add3A_24, %lt3A : i32
        %convert_element_type3A_26 = arith.extui %lt3A_25 : i1 to i32
        %cond3A_27 = arith.constant 0 : i32
        %cond3A_28 = arith.cmpi ne, %convert_element_type3A_26, %cond3A_27 : i32
        scf.if %cond3A_28 {
          %add3A_39 = arith.constant 1 : i32
          %add3A_40 = arith.addi %scan3A_12, %add3A_39 : i32
          %dma_start3A_41 = arith.constant 0 : i32
          %dma_start3A_42 = tpu.memref_slice %arg5[%add3A_40, %dma_start3A_41] : memref<32x128xi32, #tpu.memory_space<vmem>> -> memref<1x128xi32, #tpu.memory_space<vmem>>
          %dma_start3A_43 = tpu.memref_squeeze %dma_start3A_42 : memref<1x128xi32, #tpu.memory_space<vmem>> -> memref<128xi32, #tpu.memory_space<vmem>>
          %dma_start3A_44 = arith.constant 0 : i32
          %dma_start3A_45 = arith.constant 0 : i32
          %dma_start3A_46 = tpu.memref_slice %arg2[%dma_start3A_44, %dma_start3A_45] : memref<8192x128xf32, #tpu.memory_space<hbm>> -> memref<8192x128xf32, #tpu.memory_space<hbm>>
          tpu.enqueue_indirect_dma source(%dma_start3A_46 : memref<8192x128xf32, #tpu.memory_space<hbm>>) target(%arg7 : memref<128x128xf32, #tpu.memory_space<vmem>>) offsets(%dma_start3A_43 : memref<128xi32, #tpu.memory_space<vmem>>) semaphore(%arg9 : memref<!tpu.dma_semaphore, #tpu.memory_space<semaphore_mem>>)
        } else {
        }
        %dma_wait3A = arith.constant 0 : i32
        %dma_wait3A_29 = tpu.memref_slice %arg5[%scan3A_12, %dma_wait3A] : memref<32x128xi32, #tpu.memory_space<vmem>> -> memref<1x128xi32, #tpu.memory_space<vmem>>
        %dma_wait3A_30 = tpu.memref_squeeze %dma_wait3A_29 : memref<1x128xi32, #tpu.memory_space<vmem>> -> memref<128xi32, #tpu.memory_space<vmem>>
        %dma_wait3A_31 = arith.constant 0 : i32
        %dma_wait3A_32 = arith.constant 0 : i32
        %dma_wait3A_33 = tpu.memref_slice %arg2[%dma_wait3A_31, %dma_wait3A_32] : memref<8192x128xf32, #tpu.memory_space<hbm>> -> memref<8192x128xf32, #tpu.memory_space<hbm>>
        tpu.wait_indirect_dma semaphore(%arg8 : memref<!tpu.dma_semaphore, #tpu.memory_space<semaphore_mem>>) src(%dma_wait3A_33 : memref<8192x128xf32, #tpu.memory_space<hbm>>) dst(%arg6 : memref<128x128xf32, #tpu.memory_space<vmem>>)
        %mul3A_34 = arith.constant 4096 : i32
        %mul3A_35 = arith.muli %add3A, %mul3A_34 : i32
        %mul3A_36 = arith.constant 128 : i32
        %mul3A_37 = arith.muli %scan3A_12, %mul3A_36 : i32
        %add3A_38 = arith.addi %mul3A_35, %mul3A_37 : i32
        "tpu.region"() ({
          %run_scoped3A = tpu.sem_alloc : memref<!tpu.dma_semaphore, #tpu.memory_space<semaphore_mem>>
          %dma_start3A_39 = arith.constant 0 : i32
          %dma_start3A_40 = tpu.memref_slice %arg4[%add3A_38, %dma_start3A_39] : memref<131072x128xf32, #tpu.memory_space<hbm>> -> memref<128x128xf32, #tpu.memory_space<hbm>>
          %dma_start3A_41 = arith.constant 0 : i32
          %dma_start3A_42 = tpu.memref_slice %arg4[%add3A_38, %dma_start3A_41] : memref<131072x128xf32, #tpu.memory_space<hbm>> -> memref<128x128xf32, #tpu.memory_space<hbm>>
          tpu.enqueue_dma source(%arg6 : memref<128x128xf32, #tpu.memory_space<vmem>>) target(%dma_start3A_42 : memref<128x128xf32, #tpu.memory_space<hbm>>) target_semaphore(%run_scoped3A : memref<!tpu.dma_semaphore, #tpu.memory_space<semaphore_mem>>)
          %dma_wait3A_43 = arith.constant 0 : i32
          %dma_wait3A_44 = tpu.memref_slice %arg4[%add3A_38, %dma_wait3A_43] : memref<131072x128xf32, #tpu.memory_space<hbm>> -> memref<128x128xf32, #tpu.memory_space<hbm>>
          %dma_wait3A_45 = arith.constant 0 : i32
          %dma_wait3A_46 = tpu.memref_slice %arg4[%add3A_38, %dma_wait3A_45] : memref<131072x128xf32, #tpu.memory_space<hbm>> -> memref<128x128xf32, #tpu.memory_space<hbm>>
          tpu.wait_dma2 semaphore(%run_scoped3A : memref<!tpu.dma_semaphore, #tpu.memory_space<semaphore_mem>>) src(%arg6 : memref<128x128xf32, #tpu.memory_space<vmem>>) dst(%dma_wait3A_46 : memref<128x128xf32, #tpu.memory_space<hbm>>)
          tpu.yield
        }) : () -> ()
      } else {
      }
      %rem3A_16 = arith.constant 2 : i32
      %rem3A_17 = arith.remsi %scan3A_12, %rem3A_16 : i32
      %eq3A_18 = arith.constant 1 : i32
      %eq3A_19 = arith.cmpi eq, %rem3A_17, %eq3A_18 : i32
      %convert_element_type3A_20 = arith.extui %eq3A_19 : i1 to i32
      %cond3A_21 = arith.constant 0 : i32
      %cond3A_22 = arith.cmpi ne, %convert_element_type3A_20, %cond3A_21 : i32
      scf.if %cond3A_22 {
        %add3A_23 = arith.constant 1 : i32
        %add3A_24 = arith.addi %scan3A_12, %add3A_23 : i32
        %lt3A = arith.constant 32 : i32
        %lt3A_25 = arith.cmpi slt, %add3A_24, %lt3A : i32
        %convert_element_type3A_26 = arith.extui %lt3A_25 : i1 to i32
        %cond3A_27 = arith.constant 0 : i32
        %cond3A_28 = arith.cmpi ne, %convert_element_type3A_26, %cond3A_27 : i32
        scf.if %cond3A_28 {
          %add3A_39 = arith.constant 1 : i32
          %add3A_40 = arith.addi %scan3A_12, %add3A_39 : i32
          %dma_start3A_41 = arith.constant 0 : i32
          %dma_start3A_42 = tpu.memref_slice %arg5[%add3A_40, %dma_start3A_41] : memref<32x128xi32, #tpu.memory_space<vmem>> -> memref<1x128xi32, #tpu.memory_space<vmem>>
          %dma_start3A_43 = tpu.memref_squeeze %dma_start3A_42 : memref<1x128xi32, #tpu.memory_space<vmem>> -> memref<128xi32, #tpu.memory_space<vmem>>
          %dma_start3A_44 = arith.constant 0 : i32
          %dma_start3A_45 = arith.constant 0 : i32
          %dma_start3A_46 = tpu.memref_slice %arg2[%dma_start3A_44, %dma_start3A_45] : memref<8192x128xf32, #tpu.memory_space<hbm>> -> memref<8192x128xf32, #tpu.memory_space<hbm>>
          tpu.enqueue_indirect_dma source(%dma_start3A_46 : memref<8192x128xf32, #tpu.memory_space<hbm>>) target(%arg6 : memref<128x128xf32, #tpu.memory_space<vmem>>) offsets(%dma_start3A_43 : memref<128xi32, #tpu.memory_space<vmem>>) semaphore(%arg8 : memref<!tpu.dma_semaphore, #tpu.memory_space<semaphore_mem>>)
        } else {
        }
        %dma_wait3A = arith.constant 0 : i32
        %dma_wait3A_29 = tpu.memref_slice %arg5[%scan3A_12, %dma_wait3A] : memref<32x128xi32, #tpu.memory_space<vmem>> -> memref<1x128xi32, #tpu.memory_space<vmem>>
        %dma_wait3A_30 = tpu.memref_squeeze %dma_wait3A_29 : memref<1x128xi32, #tpu.memory_space<vmem>> -> memref<128xi32, #tpu.memory_space<vmem>>
        %dma_wait3A_31 = arith.constant 0 : i32
        %dma_wait3A_32 = arith.constant 0 : i32
        %dma_wait3A_33 = tpu.memref_slice %arg2[%dma_wait3A_31, %dma_wait3A_32] : memref<8192x128xf32, #tpu.memory_space<hbm>> -> memref<8192x128xf32, #tpu.memory_space<hbm>>
        tpu.wait_indirect_dma semaphore(%arg9 : memref<!tpu.dma_semaphore, #tpu.memory_space<semaphore_mem>>) src(%dma_wait3A_33 : memref<8192x128xf32, #tpu.memory_space<hbm>>) dst(%arg7 : memref<128x128xf32, #tpu.memory_space<vmem>>)
        %mul3A_34 = arith.constant 4096 : i32
        %mul3A_35 = arith.muli %add3A, %mul3A_34 : i32
        %mul3A_36 = arith.constant 128 : i32
        %mul3A_37 = arith.muli %scan3A_12, %mul3A_36 : i32
        %add3A_38 = arith.addi %mul3A_35, %mul3A_37 : i32
        "tpu.region"() ({
          %run_scoped3A = tpu.sem_alloc : memref<!tpu.dma_semaphore, #tpu.memory_space<semaphore_mem>>
          %dma_start3A_39 = arith.constant 0 : i32
          %dma_start3A_40 = tpu.memref_slice %arg4[%add3A_38, %dma_start3A_39] : memref<131072x128xf32, #tpu.memory_space<hbm>> -> memref<128x128xf32, #tpu.memory_space<hbm>>
          %dma_start3A_41 = arith.constant 0 : i32
          %dma_start3A_42 = tpu.memref_slice %arg4[%add3A_38, %dma_start3A_41] : memref<131072x128xf32, #tpu.memory_space<hbm>> -> memref<128x128xf32, #tpu.memory_space<hbm>>
          tpu.enqueue_dma source(%arg7 : memref<128x128xf32, #tpu.memory_space<vmem>>) target(%dma_start3A_42 : memref<128x128xf32, #tpu.memory_space<hbm>>) target_semaphore(%run_scoped3A : memref<!tpu.dma_semaphore, #tpu.memory_space<semaphore_mem>>)
          %dma_wait3A_43 = arith.constant 0 : i32
          %dma_wait3A_44 = tpu.memref_slice %arg4[%add3A_38, %dma_wait3A_43] : memref<131072x128xf32, #tpu.memory_space<hbm>> -> memref<128x128xf32, #tpu.memory_space<hbm>>
          %dma_wait3A_45 = arith.constant 0 : i32
          %dma_wait3A_46 = tpu.memref_slice %arg4[%add3A_38, %dma_wait3A_45] : memref<131072x128xf32, #tpu.memory_space<hbm>> -> memref<128x128xf32, #tpu.memory_space<hbm>>
          tpu.wait_dma2 semaphore(%run_scoped3A : memref<!tpu.dma_semaphore, #tpu.memory_space<semaphore_mem>>) src(%arg7 : memref<128x128xf32, #tpu.memory_space<vmem>>) dst(%dma_wait3A_46 : memref<128x128xf32, #tpu.memory_space<hbm>>)
          tpu.yield
        }) : () -> ()
      } else {
      }
    }
    %scan3A_11 = arith.constant 32 : i32
    return
  }
}

module attributes {stable_mosaic.version = 14 : i64} {
  func.func @_tc1_body(%arg0: i32, %arg1: i32, %arg2: memref<1x256x3xf32, #tpu.memory_space<vmem>>, %arg3: memref<1x3x4096xf32, #tpu.memory_space<vmem>>, %arg4: memref<1x4096x8xf32, #tpu.memory_space<vmem>>, %arg5: memref<1x256x16xi32, #tpu.memory_space<vmem>>, %arg6: memref<1x256x16xf32, #tpu.memory_space<vmem>>) attributes {dimension_semantics = [#tpu.dimension_semantics<arbitrary>, #tpu.dimension_semantics<arbitrary>], iteration_bounds = array<i64: 2, 16>, scalar_prefetch = 0 : i64, scratch_operands = 0 : i64, tpu.core_type = #tpu.core_type<tc>, window_params = [{transform_indices = @transform_0, window_bounds = array<i64: 1, 256, 3>}, {transform_indices = @transform_1, window_bounds = array<i64: 1, 3, 4096>}, {transform_indices = @transform_2, window_bounds = array<i64: 1, 4096, 8>}, {transform_indices = @transform_3, window_bounds = array<i64: 1, 256, 16>}, {transform_indices = @transform_4, window_bounds = array<i64: 1, 256, 16>}]} {
    %get3A = arith.constant 0 : index
    %get3A_0 = arith.constant 0 : index
    %get3A_1 = arith.constant 0 : index
    %get3A_2 = vector.load %arg2[%get3A, %get3A_0, %get3A_1] : memref<1x256x3xf32, #tpu.memory_space<vmem>>, vector<1x256x3xf32>
    %get3A_3 = vector.shape_cast %get3A_2 : vector<1x256x3xf32> to vector<256x3xf32>
    %get3A_4 = arith.constant 0 : index
    %get3A_5 = arith.constant 0 : index
    %get3A_6 = arith.constant 0 : index
    %get3A_7 = vector.load %arg3[%get3A_4, %get3A_5, %get3A_6] : memref<1x3x4096xf32, #tpu.memory_space<vmem>>, vector<1x3x4096xf32>
    %get3A_8 = vector.shape_cast %get3A_7 : vector<1x3x4096xf32> to vector<3x4096xf32>
    %get3A_9 = arith.constant 0 : index
    %get3A_10 = arith.constant 0 : index
    %get3A_11 = arith.constant 0 : index
    %get3A_12 = vector.load %arg4[%get3A_9, %get3A_10, %get3A_11] : memref<1x4096x8xf32, #tpu.memory_space<vmem>>, vector<1x4096x8xf32>
    %get3A_13 = vector.shape_cast %get3A_12 : vector<1x4096x8xf32> to vector<4096x8xf32>
    %mul3A = arith.mulf %get3A_8, %get3A_8 : vector<3x4096xf32>
    %reduce_sum3A = arith.constant dense<0.000000e+00> : vector<4096xf32>
    %reduce_sum3A_14 = vector.multi_reduction <add>, %mul3A, %reduce_sum3A [0] : vector<3x4096xf32> to vector<4096xf32>
    %broadcast_in_dim3A = vector.shape_cast %reduce_sum3A_14 : vector<4096xf32> to vector<1x4096xf32>
    %mul3A_15 = arith.mulf %get3A_3, %get3A_3 : vector<256x3xf32>
    %reduce_sum3A_16 = arith.constant dense<0.000000e+00> : vector<256xf32>
    %reduce_sum3A_17 = vector.multi_reduction <add>, %mul3A_15, %reduce_sum3A_16 [1] : vector<256x3xf32> to vector<256xf32>
    %broadcast_in_dim3A_18 = vector.shape_cast %reduce_sum3A_17 : vector<256xf32> to vector<256x1xf32>
    %dot_general3A = arith.constant dense<0.000000e+00> : vector<256x4096xf32>
    %dot_general3A_19 = tpu.matmul %get3A_3, %get3A_8, %dot_general3A {dimension_numbers = #tpu.dot_dimension_numbers<[1], [0], [0], [1], [0, 0, 1, 1], [], []>, transpose_lhs_hint = false} : vector<256x3xf32>, vector<3x4096xf32>, vector<256x4096xf32> -> vector<256x4096xf32>
    %add3A = vector.broadcast %broadcast_in_dim3A_18 : vector<256x1xf32> to vector<256x4096xf32>
    %add3A_20 = vector.broadcast %broadcast_in_dim3A : vector<1x4096xf32> to vector<256x4096xf32>
    %add3A_21 = arith.addf %add3A, %add3A_20 : vector<256x4096xf32>
    %mul3A_22 = arith.constant 2.000000e+00 : f32
    %mul3A_23 = vector.broadcast %mul3A_22 : f32 to vector<256x4096xf32>
    %mul3A_24 = arith.mulf %mul3A_23, %dot_general3A_19 : vector<256x4096xf32>
    %sub3A = arith.subf %add3A_21, %mul3A_24 : vector<256x4096xf32>
    %max3A = arith.constant 0.000000e+00 : f32
    %max3A_25 = vector.broadcast %max3A : f32 to vector<256x4096xf32>
    %max3A_26 = arith.maximumf %sub3A, %max3A_25 : vector<256x4096xf32>
    %iota3A = tpu.iota {dimensions = array<i32: 1>} : vector<256x4096xi32>
    %mul3A_27 = arith.constant 256 : i32
    %mul3A_28 = arith.muli %arg1, %mul3A_27 : i32
    %iota3A_29 = tpu.iota {dimensions = array<i32: 0>} : vector<256x1xi32>
    %add3A_30 = vector.broadcast %mul3A_28 : i32 to vector<256x1xi32>
    %add3A_31 = arith.addi %add3A_30, %iota3A_29 : vector<256x1xi32>
    %eq3A = vector.broadcast %add3A_31 : vector<256x1xi32> to vector<256x4096xi32>
    %eq3A_32 = arith.cmpi eq, %iota3A, %eq3A : vector<256x4096xi32>
    %jit3A = arith.constant 0x7F800000 : f32
    %broadcast_in_dim3A_33 = vector.broadcast %jit3A : f32 to vector<256x4096xf32>
    %select_n3A = arith.select %eq3A_32, %broadcast_in_dim3A_33, %max3A_26 : vector<256x4096xi1>, vector<256x4096xf32>
    %convert_element_type3A = arith.extui %eq3A_32 : vector<256x4096xi1> to vector<256x4096xi32>
    %convert_element_type3A_34 = arith.sitofp %convert_element_type3A : vector<256x4096xi32> to vector<256x4096xf32>
    %dot_general3A_35 = arith.constant dense<0.000000e+00> : vector<256x8xf32>
    %dot_general3A_36 = tpu.matmul %convert_element_type3A_34, %get3A_13, %dot_general3A_35 {dimension_numbers = #tpu.dot_dimension_numbers<[1], [0], [0], [1], [0, 0, 1, 1], [], []>, transpose_lhs_hint = false} : vector<256x4096xf32>, vector<4096x8xf32>, vector<256x8xf32> -> vector<256x8xf32>
    %argmin3A = tpu.reduce_index %select_n3A {axis = 1 : i32, kind = #tpu.reduction_kind<arg_min>} : vector<256x4096xf32> -> vector<256xi32>
    %broadcast_in_dim3A_37 = vector.shape_cast %argmin3A : vector<256xi32> to vector<256x1xi32>
    %eq3A_38 = vector.broadcast %broadcast_in_dim3A_37 : vector<256x1xi32> to vector<256x4096xi32>
    %eq3A_39 = arith.cmpi eq, %iota3A, %eq3A_38 : vector<256x4096xi32>
    %jit3A_40 = arith.constant 0x7F800000 : f32
    %broadcast_in_dim3A_41 = vector.broadcast %jit3A_40 : f32 to vector<256x4096xf32>
    %select_n3A_42 = arith.select %eq3A_39, %broadcast_in_dim3A_41, %select_n3A : vector<256x4096xi1>, vector<256x4096xf32>
    %convert_element_type3A_43 = arith.extui %eq3A_39 : vector<256x4096xi1> to vector<256x4096xi32>
    %convert_element_type3A_44 = arith.sitofp %convert_element_type3A_43 : vector<256x4096xi32> to vector<256x4096xf32>
    %dot_general3A_45 = arith.constant dense<0.000000e+00> : vector<256x8xf32>
    %dot_general3A_46 = tpu.matmul %convert_element_type3A_44, %get3A_13, %dot_general3A_45 {dimension_numbers = #tpu.dot_dimension_numbers<[1], [0], [0], [1], [0, 0, 1, 1], [], []>, transpose_lhs_hint = false} : vector<256x4096xf32>, vector<4096x8xf32>, vector<256x8xf32> -> vector<256x8xf32>
    %argmin3A_47 = tpu.reduce_index %select_n3A_42 {axis = 1 : i32, kind = #tpu.reduction_kind<arg_min>} : vector<256x4096xf32> -> vector<256xi32>
    %broadcast_in_dim3A_48 = vector.shape_cast %argmin3A_47 : vector<256xi32> to vector<256x1xi32>
    %eq3A_49 = vector.broadcast %broadcast_in_dim3A_48 : vector<256x1xi32> to vector<256x4096xi32>
    %eq3A_50 = arith.cmpi eq, %iota3A, %eq3A_49 : vector<256x4096xi32>
    %jit3A_51 = arith.constant 0x7F800000 : f32
    %broadcast_in_dim3A_52 = vector.broadcast %jit3A_51 : f32 to vector<256x4096xf32>
    %select_n3A_53 = arith.select %eq3A_50, %broadcast_in_dim3A_52, %select_n3A_42 : vector<256x4096xi1>, vector<256x4096xf32>
    %convert_element_type3A_54 = arith.extui %eq3A_50 : vector<256x4096xi1> to vector<256x4096xi32>
    %convert_element_type3A_55 = arith.sitofp %convert_element_type3A_54 : vector<256x4096xi32> to vector<256x4096xf32>
    %dot_general3A_56 = arith.constant dense<0.000000e+00> : vector<256x8xf32>
    %dot_general3A_57 = tpu.matmul %convert_element_type3A_55, %get3A_13, %dot_general3A_56 {dimension_numbers = #tpu.dot_dimension_numbers<[1], [0], [0], [1], [0, 0, 1, 1], [], []>, transpose_lhs_hint = false} : vector<256x4096xf32>, vector<4096x8xf32>, vector<256x8xf32> -> vector<256x8xf32>
    %argmin3A_58 = tpu.reduce_index %select_n3A_53 {axis = 1 : i32, kind = #tpu.reduction_kind<arg_min>} : vector<256x4096xf32> -> vector<256xi32>
    %broadcast_in_dim3A_59 = vector.shape_cast %argmin3A_58 : vector<256xi32> to vector<256x1xi32>
    %eq3A_60 = vector.broadcast %broadcast_in_dim3A_59 : vector<256x1xi32> to vector<256x4096xi32>
    %eq3A_61 = arith.cmpi eq, %iota3A, %eq3A_60 : vector<256x4096xi32>
    %jit3A_62 = arith.constant 0x7F800000 : f32
    %broadcast_in_dim3A_63 = vector.broadcast %jit3A_62 : f32 to vector<256x4096xf32>
    %select_n3A_64 = arith.select %eq3A_61, %broadcast_in_dim3A_63, %select_n3A_53 : vector<256x4096xi1>, vector<256x4096xf32>
    %convert_element_type3A_65 = arith.extui %eq3A_61 : vector<256x4096xi1> to vector<256x4096xi32>
    %convert_element_type3A_66 = arith.sitofp %convert_element_type3A_65 : vector<256x4096xi32> to vector<256x4096xf32>
    %dot_general3A_67 = arith.constant dense<0.000000e+00> : vector<256x8xf32>
    %dot_general3A_68 = tpu.matmul %convert_element_type3A_66, %get3A_13, %dot_general3A_67 {dimension_numbers = #tpu.dot_dimension_numbers<[1], [0], [0], [1], [0, 0, 1, 1], [], []>, transpose_lhs_hint = false} : vector<256x4096xf32>, vector<4096x8xf32>, vector<256x8xf32> -> vector<256x8xf32>
    %argmin3A_69 = tpu.reduce_index %select_n3A_64 {axis = 1 : i32, kind = #tpu.reduction_kind<arg_min>} : vector<256x4096xf32> -> vector<256xi32>
    %broadcast_in_dim3A_70 = vector.shape_cast %argmin3A_69 : vector<256xi32> to vector<256x1xi32>
    %eq3A_71 = vector.broadcast %broadcast_in_dim3A_70 : vector<256x1xi32> to vector<256x4096xi32>
    %eq3A_72 = arith.cmpi eq, %iota3A, %eq3A_71 : vector<256x4096xi32>
    %jit3A_73 = arith.constant 0x7F800000 : f32
    %broadcast_in_dim3A_74 = vector.broadcast %jit3A_73 : f32 to vector<256x4096xf32>
    %select_n3A_75 = arith.select %eq3A_72, %broadcast_in_dim3A_74, %select_n3A_64 : vector<256x4096xi1>, vector<256x4096xf32>
    %convert_element_type3A_76 = arith.extui %eq3A_72 : vector<256x4096xi1> to vector<256x4096xi32>
    %convert_element_type3A_77 = arith.sitofp %convert_element_type3A_76 : vector<256x4096xi32> to vector<256x4096xf32>
    %dot_general3A_78 = arith.constant dense<0.000000e+00> : vector<256x8xf32>
    %dot_general3A_79 = tpu.matmul %convert_element_type3A_77, %get3A_13, %dot_general3A_78 {dimension_numbers = #tpu.dot_dimension_numbers<[1], [0], [0], [1], [0, 0, 1, 1], [], []>, transpose_lhs_hint = false} : vector<256x4096xf32>, vector<4096x8xf32>, vector<256x8xf32> -> vector<256x8xf32>
    %argmin3A_80 = tpu.reduce_index %select_n3A_75 {axis = 1 : i32, kind = #tpu.reduction_kind<arg_min>} : vector<256x4096xf32> -> vector<256xi32>
    %broadcast_in_dim3A_81 = vector.shape_cast %argmin3A_80 : vector<256xi32> to vector<256x1xi32>
    %eq3A_82 = vector.broadcast %broadcast_in_dim3A_81 : vector<256x1xi32> to vector<256x4096xi32>
    %eq3A_83 = arith.cmpi eq, %iota3A, %eq3A_82 : vector<256x4096xi32>
    %jit3A_84 = arith.constant 0x7F800000 : f32
    %broadcast_in_dim3A_85 = vector.broadcast %jit3A_84 : f32 to vector<256x4096xf32>
    %select_n3A_86 = arith.select %eq3A_83, %broadcast_in_dim3A_85, %select_n3A_75 : vector<256x4096xi1>, vector<256x4096xf32>
    %convert_element_type3A_87 = arith.extui %eq3A_83 : vector<256x4096xi1> to vector<256x4096xi32>
    %convert_element_type3A_88 = arith.sitofp %convert_element_type3A_87 : vector<256x4096xi32> to vector<256x4096xf32>
    %dot_general3A_89 = arith.constant dense<0.000000e+00> : vector<256x8xf32>
    %dot_general3A_90 = tpu.matmul %convert_element_type3A_88, %get3A_13, %dot_general3A_89 {dimension_numbers = #tpu.dot_dimension_numbers<[1], [0], [0], [1], [0, 0, 1, 1], [], []>, transpose_lhs_hint = false} : vector<256x4096xf32>, vector<4096x8xf32>, vector<256x8xf32> -> vector<256x8xf32>
    %argmin3A_91 = tpu.reduce_index %select_n3A_86 {axis = 1 : i32, kind = #tpu.reduction_kind<arg_min>} : vector<256x4096xf32> -> vector<256xi32>
    %broadcast_in_dim3A_92 = vector.shape_cast %argmin3A_91 : vector<256xi32> to vector<256x1xi32>
    %eq3A_93 = vector.broadcast %broadcast_in_dim3A_92 : vector<256x1xi32> to vector<256x4096xi32>
    %eq3A_94 = arith.cmpi eq, %iota3A, %eq3A_93 : vector<256x4096xi32>
    %jit3A_95 = arith.constant 0x7F800000 : f32
    %broadcast_in_dim3A_96 = vector.broadcast %jit3A_95 : f32 to vector<256x4096xf32>
    %select_n3A_97 = arith.select %eq3A_94, %broadcast_in_dim3A_96, %select_n3A_86 : vector<256x4096xi1>, vector<256x4096xf32>
    %convert_element_type3A_98 = arith.extui %eq3A_94 : vector<256x4096xi1> to vector<256x4096xi32>
    %convert_element_type3A_99 = arith.sitofp %convert_element_type3A_98 : vector<256x4096xi32> to vector<256x4096xf32>
    %dot_general3A_100 = arith.constant dense<0.000000e+00> : vector<256x8xf32>
    %dot_general3A_101 = tpu.matmul %convert_element_type3A_99, %get3A_13, %dot_general3A_100 {dimension_numbers = #tpu.dot_dimension_numbers<[1], [0], [0], [1], [0, 0, 1, 1], [], []>, transpose_lhs_hint = false} : vector<256x4096xf32>, vector<4096x8xf32>, vector<256x8xf32> -> vector<256x8xf32>
    %argmin3A_102 = tpu.reduce_index %select_n3A_97 {axis = 1 : i32, kind = #tpu.reduction_kind<arg_min>} : vector<256x4096xf32> -> vector<256xi32>
    %broadcast_in_dim3A_103 = vector.shape_cast %argmin3A_102 : vector<256xi32> to vector<256x1xi32>
    %eq3A_104 = vector.broadcast %broadcast_in_dim3A_103 : vector<256x1xi32> to vector<256x4096xi32>
    %eq3A_105 = arith.cmpi eq, %iota3A, %eq3A_104 : vector<256x4096xi32>
    %jit3A_106 = arith.constant 0x7F800000 : f32
    %broadcast_in_dim3A_107 = vector.broadcast %jit3A_106 : f32 to vector<256x4096xf32>
    %select_n3A_108 = arith.select %eq3A_105, %broadcast_in_dim3A_107, %select_n3A_97 : vector<256x4096xi1>, vector<256x4096xf32>
    %convert_element_type3A_109 = arith.extui %eq3A_105 : vector<256x4096xi1> to vector<256x4096xi32>
    %convert_element_type3A_110 = arith.sitofp %convert_element_type3A_109 : vector<256x4096xi32> to vector<256x4096xf32>
    %dot_general3A_111 = arith.constant dense<0.000000e+00> : vector<256x8xf32>
    %dot_general3A_112 = tpu.matmul %convert_element_type3A_110, %get3A_13, %dot_general3A_111 {dimension_numbers = #tpu.dot_dimension_numbers<[1], [0], [0], [1], [0, 0, 1, 1], [], []>, transpose_lhs_hint = false} : vector<256x4096xf32>, vector<4096x8xf32>, vector<256x8xf32> -> vector<256x8xf32>
    %argmin3A_113 = tpu.reduce_index %select_n3A_108 {axis = 1 : i32, kind = #tpu.reduction_kind<arg_min>} : vector<256x4096xf32> -> vector<256xi32>
    %broadcast_in_dim3A_114 = vector.shape_cast %argmin3A_113 : vector<256xi32> to vector<256x1xi32>
    %eq3A_115 = vector.broadcast %broadcast_in_dim3A_114 : vector<256x1xi32> to vector<256x4096xi32>
    %eq3A_116 = arith.cmpi eq, %iota3A, %eq3A_115 : vector<256x4096xi32>
    %jit3A_117 = arith.constant 0x7F800000 : f32
    %broadcast_in_dim3A_118 = vector.broadcast %jit3A_117 : f32 to vector<256x4096xf32>
    %select_n3A_119 = arith.select %eq3A_116, %broadcast_in_dim3A_118, %select_n3A_108 : vector<256x4096xi1>, vector<256x4096xf32>
    %convert_element_type3A_120 = arith.extui %eq3A_116 : vector<256x4096xi1> to vector<256x4096xi32>
    %convert_element_type3A_121 = arith.sitofp %convert_element_type3A_120 : vector<256x4096xi32> to vector<256x4096xf32>
    %dot_general3A_122 = arith.constant dense<0.000000e+00> : vector<256x8xf32>
    %dot_general3A_123 = tpu.matmul %convert_element_type3A_121, %get3A_13, %dot_general3A_122 {dimension_numbers = #tpu.dot_dimension_numbers<[1], [0], [0], [1], [0, 0, 1, 1], [], []>, transpose_lhs_hint = false} : vector<256x4096xf32>, vector<4096x8xf32>, vector<256x8xf32> -> vector<256x8xf32>
    %argmin3A_124 = tpu.reduce_index %select_n3A_119 {axis = 1 : i32, kind = #tpu.reduction_kind<arg_min>} : vector<256x4096xf32> -> vector<256xi32>
    %broadcast_in_dim3A_125 = vector.shape_cast %argmin3A_124 : vector<256xi32> to vector<256x1xi32>
    %eq3A_126 = vector.broadcast %broadcast_in_dim3A_125 : vector<256x1xi32> to vector<256x4096xi32>
    %eq3A_127 = arith.cmpi eq, %iota3A, %eq3A_126 : vector<256x4096xi32>
    %jit3A_128 = arith.constant 0x7F800000 : f32
    %broadcast_in_dim3A_129 = vector.broadcast %jit3A_128 : f32 to vector<256x4096xf32>
    %select_n3A_130 = arith.select %eq3A_127, %broadcast_in_dim3A_129, %select_n3A_119 : vector<256x4096xi1>, vector<256x4096xf32>
    %convert_element_type3A_131 = arith.extui %eq3A_127 : vector<256x4096xi1> to vector<256x4096xi32>
    %convert_element_type3A_132 = arith.sitofp %convert_element_type3A_131 : vector<256x4096xi32> to vector<256x4096xf32>
    %dot_general3A_133 = arith.constant dense<0.000000e+00> : vector<256x8xf32>
    %dot_general3A_134 = tpu.matmul %convert_element_type3A_132, %get3A_13, %dot_general3A_133 {dimension_numbers = #tpu.dot_dimension_numbers<[1], [0], [0], [1], [0, 0, 1, 1], [], []>, transpose_lhs_hint = false} : vector<256x4096xf32>, vector<4096x8xf32>, vector<256x8xf32> -> vector<256x8xf32>
    %argmin3A_135 = tpu.reduce_index %select_n3A_130 {axis = 1 : i32, kind = #tpu.reduction_kind<arg_min>} : vector<256x4096xf32> -> vector<256xi32>
    %broadcast_in_dim3A_136 = vector.shape_cast %argmin3A_135 : vector<256xi32> to vector<256x1xi32>
    %eq3A_137 = vector.broadcast %broadcast_in_dim3A_136 : vector<256x1xi32> to vector<256x4096xi32>
    %eq3A_138 = arith.cmpi eq, %iota3A, %eq3A_137 : vector<256x4096xi32>
    %jit3A_139 = arith.constant 0x7F800000 : f32
    %broadcast_in_dim3A_140 = vector.broadcast %jit3A_139 : f32 to vector<256x4096xf32>
    %select_n3A_141 = arith.select %eq3A_138, %broadcast_in_dim3A_140, %select_n3A_130 : vector<256x4096xi1>, vector<256x4096xf32>
    %convert_element_type3A_142 = arith.extui %eq3A_138 : vector<256x4096xi1> to vector<256x4096xi32>
    %convert_element_type3A_143 = arith.sitofp %convert_element_type3A_142 : vector<256x4096xi32> to vector<256x4096xf32>
    %dot_general3A_144 = arith.constant dense<0.000000e+00> : vector<256x8xf32>
    %dot_general3A_145 = tpu.matmul %convert_element_type3A_143, %get3A_13, %dot_general3A_144 {dimension_numbers = #tpu.dot_dimension_numbers<[1], [0], [0], [1], [0, 0, 1, 1], [], []>, transpose_lhs_hint = false} : vector<256x4096xf32>, vector<4096x8xf32>, vector<256x8xf32> -> vector<256x8xf32>
    %argmin3A_146 = tpu.reduce_index %select_n3A_141 {axis = 1 : i32, kind = #tpu.reduction_kind<arg_min>} : vector<256x4096xf32> -> vector<256xi32>
    %broadcast_in_dim3A_147 = vector.shape_cast %argmin3A_146 : vector<256xi32> to vector<256x1xi32>
    %eq3A_148 = vector.broadcast %broadcast_in_dim3A_147 : vector<256x1xi32> to vector<256x4096xi32>
    %eq3A_149 = arith.cmpi eq, %iota3A, %eq3A_148 : vector<256x4096xi32>
    %jit3A_150 = arith.constant 0x7F800000 : f32
    %broadcast_in_dim3A_151 = vector.broadcast %jit3A_150 : f32 to vector<256x4096xf32>
    %select_n3A_152 = arith.select %eq3A_149, %broadcast_in_dim3A_151, %select_n3A_141 : vector<256x4096xi1>, vector<256x4096xf32>
    %convert_element_type3A_153 = arith.extui %eq3A_149 : vector<256x4096xi1> to vector<256x4096xi32>
    %convert_element_type3A_154 = arith.sitofp %convert_element_type3A_153 : vector<256x4096xi32> to vector<256x4096xf32>
    %dot_general3A_155 = arith.constant dense<0.000000e+00> : vector<256x8xf32>
    %dot_general3A_156 = tpu.matmul %convert_element_type3A_154, %get3A_13, %dot_general3A_155 {dimension_numbers = #tpu.dot_dimension_numbers<[1], [0], [0], [1], [0, 0, 1, 1], [], []>, transpose_lhs_hint = false} : vector<256x4096xf32>, vector<4096x8xf32>, vector<256x8xf32> -> vector<256x8xf32>
    %argmin3A_157 = tpu.reduce_index %select_n3A_152 {axis = 1 : i32, kind = #tpu.reduction_kind<arg_min>} : vector<256x4096xf32> -> vector<256xi32>
    %broadcast_in_dim3A_158 = vector.shape_cast %argmin3A_157 : vector<256xi32> to vector<256x1xi32>
    %eq3A_159 = vector.broadcast %broadcast_in_dim3A_158 : vector<256x1xi32> to vector<256x4096xi32>
    %eq3A_160 = arith.cmpi eq, %iota3A, %eq3A_159 : vector<256x4096xi32>
    %jit3A_161 = arith.constant 0x7F800000 : f32
    %broadcast_in_dim3A_162 = vector.broadcast %jit3A_161 : f32 to vector<256x4096xf32>
    %select_n3A_163 = arith.select %eq3A_160, %broadcast_in_dim3A_162, %select_n3A_152 : vector<256x4096xi1>, vector<256x4096xf32>
    %convert_element_type3A_164 = arith.extui %eq3A_160 : vector<256x4096xi1> to vector<256x4096xi32>
    %convert_element_type3A_165 = arith.sitofp %convert_element_type3A_164 : vector<256x4096xi32> to vector<256x4096xf32>
    %dot_general3A_166 = arith.constant dense<0.000000e+00> : vector<256x8xf32>
    %dot_general3A_167 = tpu.matmul %convert_element_type3A_165, %get3A_13, %dot_general3A_166 {dimension_numbers = #tpu.dot_dimension_numbers<[1], [0], [0], [1], [0, 0, 1, 1], [], []>, transpose_lhs_hint = false} : vector<256x4096xf32>, vector<4096x8xf32>, vector<256x8xf32> -> vector<256x8xf32>
    %argmin3A_168 = tpu.reduce_index %select_n3A_163 {axis = 1 : i32, kind = #tpu.reduction_kind<arg_min>} : vector<256x4096xf32> -> vector<256xi32>
    %broadcast_in_dim3A_169 = vector.shape_cast %argmin3A_168 : vector<256xi32> to vector<256x1xi32>
    %eq3A_170 = vector.broadcast %broadcast_in_dim3A_169 : vector<256x1xi32> to vector<256x4096xi32>
    %eq3A_171 = arith.cmpi eq, %iota3A, %eq3A_170 : vector<256x4096xi32>
    %jit3A_172 = arith.constant 0x7F800000 : f32
    %broadcast_in_dim3A_173 = vector.broadcast %jit3A_172 : f32 to vector<256x4096xf32>
    %select_n3A_174 = arith.select %eq3A_171, %broadcast_in_dim3A_173, %select_n3A_163 : vector<256x4096xi1>, vector<256x4096xf32>
    %convert_element_type3A_175 = arith.extui %eq3A_171 : vector<256x4096xi1> to vector<256x4096xi32>
    %convert_element_type3A_176 = arith.sitofp %convert_element_type3A_175 : vector<256x4096xi32> to vector<256x4096xf32>
    %dot_general3A_177 = arith.constant dense<0.000000e+00> : vector<256x8xf32>
    %dot_general3A_178 = tpu.matmul %convert_element_type3A_176, %get3A_13, %dot_general3A_177 {dimension_numbers = #tpu.dot_dimension_numbers<[1], [0], [0], [1], [0, 0, 1, 1], [], []>, transpose_lhs_hint = false} : vector<256x4096xf32>, vector<4096x8xf32>, vector<256x8xf32> -> vector<256x8xf32>
    %argmin3A_179 = tpu.reduce_index %select_n3A_174 {axis = 1 : i32, kind = #tpu.reduction_kind<arg_min>} : vector<256x4096xf32> -> vector<256xi32>
    %broadcast_in_dim3A_180 = vector.shape_cast %argmin3A_179 : vector<256xi32> to vector<256x1xi32>
    %eq3A_181 = vector.broadcast %broadcast_in_dim3A_180 : vector<256x1xi32> to vector<256x4096xi32>
    %eq3A_182 = arith.cmpi eq, %iota3A, %eq3A_181 : vector<256x4096xi32>
    %jit3A_183 = arith.constant 0x7F800000 : f32
    %broadcast_in_dim3A_184 = vector.broadcast %jit3A_183 : f32 to vector<256x4096xf32>
    %select_n3A_185 = arith.select %eq3A_182, %broadcast_in_dim3A_184, %select_n3A_174 : vector<256x4096xi1>, vector<256x4096xf32>
    %convert_element_type3A_186 = arith.extui %eq3A_182 : vector<256x4096xi1> to vector<256x4096xi32>
    %convert_element_type3A_187 = arith.sitofp %convert_element_type3A_186 : vector<256x4096xi32> to vector<256x4096xf32>
    %dot_general3A_188 = arith.constant dense<0.000000e+00> : vector<256x8xf32>
    %dot_general3A_189 = tpu.matmul %convert_element_type3A_187, %get3A_13, %dot_general3A_188 {dimension_numbers = #tpu.dot_dimension_numbers<[1], [0], [0], [1], [0, 0, 1, 1], [], []>, transpose_lhs_hint = false} : vector<256x4096xf32>, vector<4096x8xf32>, vector<256x8xf32> -> vector<256x8xf32>
    %argmin3A_190 = tpu.reduce_index %select_n3A_185 {axis = 1 : i32, kind = #tpu.reduction_kind<arg_min>} : vector<256x4096xf32> -> vector<256xi32>
    %broadcast_in_dim3A_191 = vector.shape_cast %argmin3A_190 : vector<256xi32> to vector<256x1xi32>
    %eq3A_192 = vector.broadcast %broadcast_in_dim3A_191 : vector<256x1xi32> to vector<256x4096xi32>
    %eq3A_193 = arith.cmpi eq, %iota3A, %eq3A_192 : vector<256x4096xi32>
    %convert_element_type3A_194 = arith.extui %eq3A_193 : vector<256x4096xi1> to vector<256x4096xi32>
    %convert_element_type3A_195 = arith.sitofp %convert_element_type3A_194 : vector<256x4096xi32> to vector<256x4096xf32>
    %dot_general3A_196 = arith.constant dense<0.000000e+00> : vector<256x8xf32>
    %dot_general3A_197 = tpu.matmul %convert_element_type3A_195, %get3A_13, %dot_general3A_196 {dimension_numbers = #tpu.dot_dimension_numbers<[1], [0], [0], [1], [0, 0, 1, 1], [], []>, transpose_lhs_hint = false} : vector<256x4096xf32>, vector<4096x8xf32>, vector<256x8xf32> -> vector<256x8xf32>
    %add3A_198 = arith.addf %dot_general3A_36, %dot_general3A_46 : vector<256x8xf32>
    %add3A_199 = arith.addf %add3A_198, %dot_general3A_57 : vector<256x8xf32>
    %add3A_200 = arith.addf %add3A_199, %dot_general3A_68 : vector<256x8xf32>
    %add3A_201 = arith.addf %add3A_200, %dot_general3A_79 : vector<256x8xf32>
    %add3A_202 = arith.addf %add3A_201, %dot_general3A_90 : vector<256x8xf32>
    %add3A_203 = arith.addf %add3A_202, %dot_general3A_101 : vector<256x8xf32>
    %add3A_204 = arith.addf %add3A_203, %dot_general3A_112 : vector<256x8xf32>
    %add3A_205 = arith.addf %add3A_204, %dot_general3A_123 : vector<256x8xf32>
    %add3A_206 = arith.addf %add3A_205, %dot_general3A_134 : vector<256x8xf32>
    %add3A_207 = arith.addf %add3A_206, %dot_general3A_145 : vector<256x8xf32>
    %add3A_208 = arith.addf %add3A_207, %dot_general3A_156 : vector<256x8xf32>
    %add3A_209 = arith.addf %add3A_208, %dot_general3A_167 : vector<256x8xf32>
    %add3A_210 = arith.addf %add3A_209, %dot_general3A_178 : vector<256x8xf32>
    %add3A_211 = arith.addf %add3A_210, %dot_general3A_189 : vector<256x8xf32>
    %add3A_212 = arith.addf %add3A_211, %dot_general3A_197 : vector<256x8xf32>
    %div3A = arith.constant 1.600000e+01 : f32
    %div3A_213 = vector.broadcast %div3A : f32 to vector<256x8xf32>
    %div3A_214 = arith.divf %add3A_212, %div3A_213 : vector<256x8xf32>
    %sub3A_215 = arith.subf %dot_general3A_36, %div3A_214 : vector<256x8xf32>
    %sub3A_216 = arith.subf %dot_general3A_46, %div3A_214 : vector<256x8xf32>
    %sub3A_217 = arith.subf %dot_general3A_57, %div3A_214 : vector<256x8xf32>
    %sub3A_218 = arith.subf %dot_general3A_68, %div3A_214 : vector<256x8xf32>
    %sub3A_219 = arith.subf %dot_general3A_79, %div3A_214 : vector<256x8xf32>
    %sub3A_220 = arith.subf %dot_general3A_90, %div3A_214 : vector<256x8xf32>
    %sub3A_221 = arith.subf %dot_general3A_101, %div3A_214 : vector<256x8xf32>
    %sub3A_222 = arith.subf %dot_general3A_112, %div3A_214 : vector<256x8xf32>
    %sub3A_223 = arith.subf %dot_general3A_123, %div3A_214 : vector<256x8xf32>
    %sub3A_224 = arith.subf %dot_general3A_134, %div3A_214 : vector<256x8xf32>
    %sub3A_225 = arith.subf %dot_general3A_145, %div3A_214 : vector<256x8xf32>
    %sub3A_226 = arith.subf %dot_general3A_156, %div3A_214 : vector<256x8xf32>
    %sub3A_227 = arith.subf %dot_general3A_167, %div3A_214 : vector<256x8xf32>
    %sub3A_228 = arith.subf %dot_general3A_178, %div3A_214 : vector<256x8xf32>
    %sub3A_229 = arith.subf %dot_general3A_189, %div3A_214 : vector<256x8xf32>
    %sub3A_230 = arith.subf %dot_general3A_197, %div3A_214 : vector<256x8xf32>
    %mul3A_231 = arith.mulf %sub3A_215, %sub3A_215 : vector<256x8xf32>
    %mul3A_232 = arith.mulf %sub3A_216, %sub3A_216 : vector<256x8xf32>
    %add3A_233 = arith.addf %mul3A_231, %mul3A_232 : vector<256x8xf32>
    %mul3A_234 = arith.mulf %sub3A_217, %sub3A_217 : vector<256x8xf32>
    %add3A_235 = arith.addf %add3A_233, %mul3A_234 : vector<256x8xf32>
    %mul3A_236 = arith.mulf %sub3A_218, %sub3A_218 : vector<256x8xf32>
    %add3A_237 = arith.addf %add3A_235, %mul3A_236 : vector<256x8xf32>
    %mul3A_238 = arith.mulf %sub3A_219, %sub3A_219 : vector<256x8xf32>
    %add3A_239 = arith.addf %add3A_237, %mul3A_238 : vector<256x8xf32>
    %mul3A_240 = arith.mulf %sub3A_220, %sub3A_220 : vector<256x8xf32>
    %add3A_241 = arith.addf %add3A_239, %mul3A_240 : vector<256x8xf32>
    %mul3A_242 = arith.mulf %sub3A_221, %sub3A_221 : vector<256x8xf32>
    %add3A_243 = arith.addf %add3A_241, %mul3A_242 : vector<256x8xf32>
    %mul3A_244 = arith.mulf %sub3A_222, %sub3A_222 : vector<256x8xf32>
    %add3A_245 = arith.addf %add3A_243, %mul3A_244 : vector<256x8xf32>
    %mul3A_246 = arith.mulf %sub3A_223, %sub3A_223 : vector<256x8xf32>
    %add3A_247 = arith.addf %add3A_245, %mul3A_246 : vector<256x8xf32>
    %mul3A_248 = arith.mulf %sub3A_224, %sub3A_224 : vector<256x8xf32>
    %add3A_249 = arith.addf %add3A_247, %mul3A_248 : vector<256x8xf32>
    %mul3A_250 = arith.mulf %sub3A_225, %sub3A_225 : vector<256x8xf32>
    %add3A_251 = arith.addf %add3A_249, %mul3A_250 : vector<256x8xf32>
    %mul3A_252 = arith.mulf %sub3A_226, %sub3A_226 : vector<256x8xf32>
    %add3A_253 = arith.addf %add3A_251, %mul3A_252 : vector<256x8xf32>
    %mul3A_254 = arith.mulf %sub3A_227, %sub3A_227 : vector<256x8xf32>
    %add3A_255 = arith.addf %add3A_253, %mul3A_254 : vector<256x8xf32>
    %mul3A_256 = arith.mulf %sub3A_228, %sub3A_228 : vector<256x8xf32>
    %add3A_257 = arith.addf %add3A_255, %mul3A_256 : vector<256x8xf32>
    %mul3A_258 = arith.mulf %sub3A_229, %sub3A_229 : vector<256x8xf32>
    %add3A_259 = arith.addf %add3A_257, %mul3A_258 : vector<256x8xf32>
    %mul3A_260 = arith.mulf %sub3A_230, %sub3A_230 : vector<256x8xf32>
    %add3A_261 = arith.addf %add3A_259, %mul3A_260 : vector<256x8xf32>
    %div3A_262 = arith.constant 1.500000e+01 : f32
    %div3A_263 = vector.broadcast %div3A_262 : f32 to vector<256x8xf32>
    %div3A_264 = arith.divf %add3A_261, %div3A_263 : vector<256x8xf32>
    %sqrt3A = math.sqrt %div3A_264 : vector<256x8xf32>
    %add3A_265 = arith.constant 9.99999997E-7 : f32
    %add3A_266 = vector.broadcast %add3A_265 : f32 to vector<256x8xf32>
    %add3A_267 = arith.addf %sqrt3A, %add3A_266 : vector<256x8xf32>
    %div3A_268 = arith.divf %sub3A_215, %add3A_267 : vector<256x8xf32>
    %integer_pow3A = arith.mulf %div3A_268, %div3A_268 : vector<256x8xf32>
    %reduce_sum3A_269 = arith.constant dense<0.000000e+00> : vector<256xf32>
    %reduce_sum3A_270 = vector.multi_reduction <add>, %integer_pow3A, %reduce_sum3A_269 [1] : vector<256x8xf32> to vector<256xf32>
    %broadcast_in_dim3A_271 = vector.shape_cast %reduce_sum3A_270 : vector<256xf32> to vector<256x1xf32>
    %sqrt3A_272 = math.sqrt %broadcast_in_dim3A_271 : vector<256x1xf32>
    %div3A_273 = arith.divf %sub3A_216, %add3A_267 : vector<256x8xf32>
    %integer_pow3A_274 = arith.mulf %div3A_273, %div3A_273 : vector<256x8xf32>
    %reduce_sum3A_275 = arith.constant dense<0.000000e+00> : vector<256xf32>
    %reduce_sum3A_276 = vector.multi_reduction <add>, %integer_pow3A_274, %reduce_sum3A_275 [1] : vector<256x8xf32> to vector<256xf32>
    %broadcast_in_dim3A_277 = vector.shape_cast %reduce_sum3A_276 : vector<256xf32> to vector<256x1xf32>
    %sqrt3A_278 = math.sqrt %broadcast_in_dim3A_277 : vector<256x1xf32>
    %div3A_279 = arith.divf %sub3A_217, %add3A_267 : vector<256x8xf32>
    %integer_pow3A_280 = arith.mulf %div3A_279, %div3A_279 : vector<256x8xf32>
    %reduce_sum3A_281 = arith.constant dense<0.000000e+00> : vector<256xf32>
    %reduce_sum3A_282 = vector.multi_reduction <add>, %integer_pow3A_280, %reduce_sum3A_281 [1] : vector<256x8xf32> to vector<256xf32>
    %broadcast_in_dim3A_283 = vector.shape_cast %reduce_sum3A_282 : vector<256xf32> to vector<256x1xf32>
    %sqrt3A_284 = math.sqrt %broadcast_in_dim3A_283 : vector<256x1xf32>
    %div3A_285 = arith.divf %sub3A_218, %add3A_267 : vector<256x8xf32>
    %integer_pow3A_286 = arith.mulf %div3A_285, %div3A_285 : vector<256x8xf32>
    %reduce_sum3A_287 = arith.constant dense<0.000000e+00> : vector<256xf32>
    %reduce_sum3A_288 = vector.multi_reduction <add>, %integer_pow3A_286, %reduce_sum3A_287 [1] : vector<256x8xf32> to vector<256xf32>
    %broadcast_in_dim3A_289 = vector.shape_cast %reduce_sum3A_288 : vector<256xf32> to vector<256x1xf32>
    %sqrt3A_290 = math.sqrt %broadcast_in_dim3A_289 : vector<256x1xf32>
    %div3A_291 = arith.divf %sub3A_219, %add3A_267 : vector<256x8xf32>
    %integer_pow3A_292 = arith.mulf %div3A_291, %div3A_291 : vector<256x8xf32>
    %reduce_sum3A_293 = arith.constant dense<0.000000e+00> : vector<256xf32>
    %reduce_sum3A_294 = vector.multi_reduction <add>, %integer_pow3A_292, %reduce_sum3A_293 [1] : vector<256x8xf32> to vector<256xf32>
    %broadcast_in_dim3A_295 = vector.shape_cast %reduce_sum3A_294 : vector<256xf32> to vector<256x1xf32>
    %sqrt3A_296 = math.sqrt %broadcast_in_dim3A_295 : vector<256x1xf32>
    %div3A_297 = arith.divf %sub3A_220, %add3A_267 : vector<256x8xf32>
    %integer_pow3A_298 = arith.mulf %div3A_297, %div3A_297 : vector<256x8xf32>
    %reduce_sum3A_299 = arith.constant dense<0.000000e+00> : vector<256xf32>
    %reduce_sum3A_300 = vector.multi_reduction <add>, %integer_pow3A_298, %reduce_sum3A_299 [1] : vector<256x8xf32> to vector<256xf32>
    %broadcast_in_dim3A_301 = vector.shape_cast %reduce_sum3A_300 : vector<256xf32> to vector<256x1xf32>
    %sqrt3A_302 = math.sqrt %broadcast_in_dim3A_301 : vector<256x1xf32>
    %div3A_303 = arith.divf %sub3A_221, %add3A_267 : vector<256x8xf32>
    %integer_pow3A_304 = arith.mulf %div3A_303, %div3A_303 : vector<256x8xf32>
    %reduce_sum3A_305 = arith.constant dense<0.000000e+00> : vector<256xf32>
    %reduce_sum3A_306 = vector.multi_reduction <add>, %integer_pow3A_304, %reduce_sum3A_305 [1] : vector<256x8xf32> to vector<256xf32>
    %broadcast_in_dim3A_307 = vector.shape_cast %reduce_sum3A_306 : vector<256xf32> to vector<256x1xf32>
    %sqrt3A_308 = math.sqrt %broadcast_in_dim3A_307 : vector<256x1xf32>
    %div3A_309 = arith.divf %sub3A_222, %add3A_267 : vector<256x8xf32>
    %integer_pow3A_310 = arith.mulf %div3A_309, %div3A_309 : vector<256x8xf32>
    %reduce_sum3A_311 = arith.constant dense<0.000000e+00> : vector<256xf32>
    %reduce_sum3A_312 = vector.multi_reduction <add>, %integer_pow3A_310, %reduce_sum3A_311 [1] : vector<256x8xf32> to vector<256xf32>
    %broadcast_in_dim3A_313 = vector.shape_cast %reduce_sum3A_312 : vector<256xf32> to vector<256x1xf32>
    %sqrt3A_314 = math.sqrt %broadcast_in_dim3A_313 : vector<256x1xf32>
    %div3A_315 = arith.divf %sub3A_223, %add3A_267 : vector<256x8xf32>
    %integer_pow3A_316 = arith.mulf %div3A_315, %div3A_315 : vector<256x8xf32>
    %reduce_sum3A_317 = arith.constant dense<0.000000e+00> : vector<256xf32>
    %reduce_sum3A_318 = vector.multi_reduction <add>, %integer_pow3A_316, %reduce_sum3A_317 [1] : vector<256x8xf32> to vector<256xf32>
    %broadcast_in_dim3A_319 = vector.shape_cast %reduce_sum3A_318 : vector<256xf32> to vector<256x1xf32>
    %sqrt3A_320 = math.sqrt %broadcast_in_dim3A_319 : vector<256x1xf32>
    %div3A_321 = arith.divf %sub3A_224, %add3A_267 : vector<256x8xf32>
    %integer_pow3A_322 = arith.mulf %div3A_321, %div3A_321 : vector<256x8xf32>
    %reduce_sum3A_323 = arith.constant dense<0.000000e+00> : vector<256xf32>
    %reduce_sum3A_324 = vector.multi_reduction <add>, %integer_pow3A_322, %reduce_sum3A_323 [1] : vector<256x8xf32> to vector<256xf32>
    %broadcast_in_dim3A_325 = vector.shape_cast %reduce_sum3A_324 : vector<256xf32> to vector<256x1xf32>
    %sqrt3A_326 = math.sqrt %broadcast_in_dim3A_325 : vector<256x1xf32>
    %div3A_327 = arith.divf %sub3A_225, %add3A_267 : vector<256x8xf32>
    %integer_pow3A_328 = arith.mulf %div3A_327, %div3A_327 : vector<256x8xf32>
    %reduce_sum3A_329 = arith.constant dense<0.000000e+00> : vector<256xf32>
    %reduce_sum3A_330 = vector.multi_reduction <add>, %integer_pow3A_328, %reduce_sum3A_329 [1] : vector<256x8xf32> to vector<256xf32>
    %broadcast_in_dim3A_331 = vector.shape_cast %reduce_sum3A_330 : vector<256xf32> to vector<256x1xf32>
    %sqrt3A_332 = math.sqrt %broadcast_in_dim3A_331 : vector<256x1xf32>
    %div3A_333 = arith.divf %sub3A_226, %add3A_267 : vector<256x8xf32>
    %integer_pow3A_334 = arith.mulf %div3A_333, %div3A_333 : vector<256x8xf32>
    %reduce_sum3A_335 = arith.constant dense<0.000000e+00> : vector<256xf32>
    %reduce_sum3A_336 = vector.multi_reduction <add>, %integer_pow3A_334, %reduce_sum3A_335 [1] : vector<256x8xf32> to vector<256xf32>
    %broadcast_in_dim3A_337 = vector.shape_cast %reduce_sum3A_336 : vector<256xf32> to vector<256x1xf32>
    %sqrt3A_338 = math.sqrt %broadcast_in_dim3A_337 : vector<256x1xf32>
    %div3A_339 = arith.divf %sub3A_227, %add3A_267 : vector<256x8xf32>
    %integer_pow3A_340 = arith.mulf %div3A_339, %div3A_339 : vector<256x8xf32>
    %reduce_sum3A_341 = arith.constant dense<0.000000e+00> : vector<256xf32>
    %reduce_sum3A_342 = vector.multi_reduction <add>, %integer_pow3A_340, %reduce_sum3A_341 [1] : vector<256x8xf32> to vector<256xf32>
    %broadcast_in_dim3A_343 = vector.shape_cast %reduce_sum3A_342 : vector<256xf32> to vector<256x1xf32>
    %sqrt3A_344 = math.sqrt %broadcast_in_dim3A_343 : vector<256x1xf32>
    %div3A_345 = arith.divf %sub3A_228, %add3A_267 : vector<256x8xf32>
    %integer_pow3A_346 = arith.mulf %div3A_345, %div3A_345 : vector<256x8xf32>
    %reduce_sum3A_347 = arith.constant dense<0.000000e+00> : vector<256xf32>
    %reduce_sum3A_348 = vector.multi_reduction <add>, %integer_pow3A_346, %reduce_sum3A_347 [1] : vector<256x8xf32> to vector<256xf32>
    %broadcast_in_dim3A_349 = vector.shape_cast %reduce_sum3A_348 : vector<256xf32> to vector<256x1xf32>
    %sqrt3A_350 = math.sqrt %broadcast_in_dim3A_349 : vector<256x1xf32>
    %div3A_351 = arith.divf %sub3A_229, %add3A_267 : vector<256x8xf32>
    %integer_pow3A_352 = arith.mulf %div3A_351, %div3A_351 : vector<256x8xf32>
    %reduce_sum3A_353 = arith.constant dense<0.000000e+00> : vector<256xf32>
    %reduce_sum3A_354 = vector.multi_reduction <add>, %integer_pow3A_352, %reduce_sum3A_353 [1] : vector<256x8xf32> to vector<256xf32>
    %broadcast_in_dim3A_355 = vector.shape_cast %reduce_sum3A_354 : vector<256xf32> to vector<256x1xf32>
    %sqrt3A_356 = math.sqrt %broadcast_in_dim3A_355 : vector<256x1xf32>
    %div3A_357 = arith.divf %sub3A_230, %add3A_267 : vector<256x8xf32>
    %integer_pow3A_358 = arith.mulf %div3A_357, %div3A_357 : vector<256x8xf32>
    %reduce_sum3A_359 = arith.constant dense<0.000000e+00> : vector<256xf32>
    %reduce_sum3A_360 = vector.multi_reduction <add>, %integer_pow3A_358, %reduce_sum3A_359 [1] : vector<256x8xf32> to vector<256xf32>
    %broadcast_in_dim3A_361 = vector.shape_cast %reduce_sum3A_360 : vector<256xf32> to vector<256x1xf32>
    %sqrt3A_362 = math.sqrt %broadcast_in_dim3A_361 : vector<256x1xf32>
    %concatenate3A = tpu.concatenate %sqrt3A_272, %sqrt3A_278, %sqrt3A_284, %sqrt3A_290, %sqrt3A_296, %sqrt3A_302, %sqrt3A_308, %sqrt3A_314, %sqrt3A_320, %sqrt3A_326, %sqrt3A_332, %sqrt3A_338, %sqrt3A_344, %sqrt3A_350, %sqrt3A_356, %sqrt3A_362 in 1 : vector<256x1xf32>, vector<256x1xf32>, vector<256x1xf32>, vector<256x1xf32>, vector<256x1xf32>, vector<256x1xf32>, vector<256x1xf32>, vector<256x1xf32>, vector<256x1xf32>, vector<256x1xf32>, vector<256x1xf32>, vector<256x1xf32>, vector<256x1xf32>, vector<256x1xf32>, vector<256x1xf32>, vector<256x1xf32> -> vector<256x16xf32>
    %swap3A = arith.constant 0 : index
    %swap3A_363 = arith.constant 0 : index
    %swap3A_364 = arith.constant 0 : index
    %swap3A_365 = vector.load %arg6[%swap3A, %swap3A_363, %swap3A_364] : memref<1x256x16xf32, #tpu.memory_space<vmem>>, vector<1x256x16xf32>
    %swap3A_366 = vector.shape_cast %swap3A_365 : vector<1x256x16xf32> to vector<256x16xf32>
    %swap3A_367 = vector.shape_cast %concatenate3A : vector<256x16xf32> to vector<1x256x16xf32>
    tpu.vector_store %arg6[%swap3A, %swap3A_363, %swap3A_364], %swap3A_367 {strides = array<i32>} : memref<1x256x16xf32, #tpu.memory_space<vmem>>, vector<1x256x16xf32>,
    %concatenate3A_368 = tpu.concatenate %add3A_31, %broadcast_in_dim3A_37, %broadcast_in_dim3A_48, %broadcast_in_dim3A_59, %broadcast_in_dim3A_70, %broadcast_in_dim3A_81, %broadcast_in_dim3A_92, %broadcast_in_dim3A_103, %broadcast_in_dim3A_114, %broadcast_in_dim3A_125, %broadcast_in_dim3A_136, %broadcast_in_dim3A_147, %broadcast_in_dim3A_158, %broadcast_in_dim3A_169, %broadcast_in_dim3A_180, %broadcast_in_dim3A_191 in 1 : vector<256x1xi32>, vector<256x1xi32>, vector<256x1xi32>, vector<256x1xi32>, vector<256x1xi32>, vector<256x1xi32>, vector<256x1xi32>, vector<256x1xi32>, vector<256x1xi32>, vector<256x1xi32>, vector<256x1xi32>, vector<256x1xi32>, vector<256x1xi32>, vector<256x1xi32>, vector<256x1xi32>, vector<256x1xi32> -> vector<256x16xi32>
    %mul3A_369 = arith.constant 4096 : i32
    %mul3A_370 = arith.muli %arg0, %mul3A_369 : i32
    %add3A_371 = vector.broadcast %mul3A_370 : i32 to vector<256x16xi32>
    %add3A_372 = arith.addi %concatenate3A_368, %add3A_371 : vector<256x16xi32>
    %swap3A_373 = arith.constant 0 : index
    %swap3A_374 = arith.constant 0 : index
    %swap3A_375 = arith.constant 0 : index
    %swap3A_376 = vector.load %arg5[%swap3A_373, %swap3A_374, %swap3A_375] : memref<1x256x16xi32, #tpu.memory_space<vmem>>, vector<1x256x16xi32>
    %swap3A_377 = vector.shape_cast %swap3A_376 : vector<1x256x16xi32> to vector<256x16xi32>
    %swap3A_378 = vector.shape_cast %add3A_372 : vector<256x16xi32> to vector<1x256x16xi32>
    tpu.vector_store %arg5[%swap3A_373, %swap3A_374, %swap3A_375], %swap3A_378 {strides = array<i32>} : memref<1x256x16xi32, #tpu.memory_space<vmem>>, vector<1x256x16xi32>,
    return
  }
  func.func @transform_0(%arg0: i32, %arg1: i32) -> (i32, i32, i32) {
    %c0_i32 = arith.constant 0 : i32
    %c0_i32_0 = arith.constant 0 : i32
    return %arg0, %arg1, %c0_i32 : i32, i32, i32
  }
  func.func @transform_1(%arg0: i32, %arg1: i32) -> (i32, i32, i32) {
    %c0_i32 = arith.constant 0 : i32
    %c0_i32_0 = arith.constant 0 : i32
    %c0_i32_1 = arith.constant 0 : i32
    return %arg0, %c0_i32, %c0_i32_0 : i32, i32, i32
  }
  func.func @transform_2(%arg0: i32, %arg1: i32) -> (i32, i32, i32) {
    %c0_i32 = arith.constant 0 : i32
    %c0_i32_0 = arith.constant 0 : i32
    %c0_i32_1 = arith.constant 0 : i32
    return %arg0, %c0_i32, %c0_i32_0 : i32, i32, i32
  }
  func.func @transform_3(%arg0: i32, %arg1: i32) -> (i32, i32, i32) {
    %c0_i32 = arith.constant 0 : i32
    %c0_i32_0 = arith.constant 0 : i32
    return %arg0, %arg1, %c0_i32 : i32, i32, i32
  }
  func.func @transform_4(%arg0: i32, %arg1: i32) -> (i32, i32, i32) {
    %c0_i32 = arith.constant 0 : i32
    %c0_i32_0 = arith.constant 0 : i32
    return %arg0, %arg1, %c0_i32 : i32, i32, i32
  }
}

module attributes {stable_mosaic.version = 14 : i64} {
  func.func @_tc2_body(%arg0: i32, %arg1: i32, %arg2: memref<4096x128xf32, #tpu.memory_space<vmem>>, %arg3: memref<1x256x128xf32, #tpu.memory_space<vmem>>, %arg4: memref<1x256x16xf32, #tpu.memory_space<vmem>>, %arg5: memref<136x128xf32, #tpu.memory_space<vmem>>, %arg6: memref<1x128xf32, #tpu.memory_space<vmem>>, %arg7: memref<128x128xf32, #tpu.memory_space<vmem>>, %arg8: memref<1x128xf32, #tpu.memory_space<vmem>>, %arg9: memref<1x256x128xf32, #tpu.memory_space<vmem>>) attributes {dimension_semantics = [#tpu.dimension_semantics<arbitrary>, #tpu.dimension_semantics<arbitrary>], iteration_bounds = array<i64: 2, 16>, scalar_prefetch = 0 : i64, scratch_operands = 0 : i64, tpu.core_type = #tpu.core_type<tc>, window_params = [{transform_indices = @transform_0, window_bounds = array<i64: 4096, 128>}, {transform_indices = @transform_1, window_bounds = array<i64: 1, 256, 128>}, {transform_indices = @transform_2, window_bounds = array<i64: 1, 256, 16>}, {pipeline_mode = #tpu.pipeline_mode<synchronous>, transform_indices = @transform_3, window_bounds = array<i64: 136, 128>}, {pipeline_mode = #tpu.pipeline_mode<synchronous>, transform_indices = @transform_4, window_bounds = array<i64: 1, 128>}, {pipeline_mode = #tpu.pipeline_mode<synchronous>, transform_indices = @transform_5, window_bounds = array<i64: 128, 128>}, {pipeline_mode = #tpu.pipeline_mode<synchronous>, transform_indices = @transform_6, window_bounds = array<i64: 1, 128>}, {transform_indices = @transform_7, window_bounds = array<i64: 1, 256, 128>}]} {
    %get3A = arith.constant 0 : index
    %get3A_0 = arith.constant 0 : index
    %get3A_1 = vector.load %arg2[%get3A, %get3A_0] : memref<4096x128xf32, #tpu.memory_space<vmem>>, vector<4096x128xf32>
    %get3A_2 = arith.constant 0 : index
    %get3A_3 = arith.constant 0 : index
    %get3A_4 = arith.constant 0 : index
    %get3A_5 = vector.load %arg3[%get3A_2, %get3A_3, %get3A_4] : memref<1x256x128xf32, #tpu.memory_space<vmem>>, vector<1x256x128xf32>
    %get3A_6 = vector.shape_cast %get3A_5 : vector<1x256x128xf32> to vector<256x128xf32>
    %get3A_7 = arith.constant 0 : index
    %get3A_8 = arith.constant 0 : index
    %get3A_9 = arith.constant 0 : index
    %get3A_10 = vector.load %arg4[%get3A_7, %get3A_8, %get3A_9] : memref<1x256x16xf32, #tpu.memory_space<vmem>>, vector<1x256x16xf32>
    %get3A_11 = vector.shape_cast %get3A_10 : vector<1x256x16xf32> to vector<256x16xf32>
    %broadcast_in_dim3A = vector.shape_cast %get3A_6 : vector<256x128xf32> to vector<256x1x128xf32>
    %broadcast_in_dim3A_12 = vector.shape_cast %broadcast_in_dim3A : vector<256x1x128xf32> to vector<256x1x128xf32>
    %broadcast_in_dim3A_13 = vector.broadcast %broadcast_in_dim3A_12 : vector<256x1x128xf32> to vector<256x16x128xf32>
    %reshape3A = vector.shape_cast %broadcast_in_dim3A_13 : vector<256x16x128xf32> to vector<4096x128xf32>
    %sub3A = arith.subf %get3A_1, %reshape3A : vector<4096x128xf32>
    %reduce_sum3A = arith.constant dense<0.000000e+00> : vector<4096xf32>
    %reduce_sum3A_14 = vector.multi_reduction <add>, %sub3A, %reduce_sum3A [1] : vector<4096x128xf32> to vector<4096xf32>
    %broadcast_in_dim3A_15 = vector.shape_cast %reduce_sum3A_14 : vector<4096xf32> to vector<4096x1xf32>
    %div3A = arith.constant 1.280000e+02 : f32
    %div3A_16 = vector.broadcast %div3A : f32 to vector<4096x1xf32>
    %div3A_17 = arith.divf %broadcast_in_dim3A_15, %div3A_16 : vector<4096x1xf32>
    %sub3A_18 = vector.broadcast %div3A_17 : vector<4096x1xf32> to vector<4096x128xf32>
    %sub3A_19 = arith.subf %sub3A, %sub3A_18 : vector<4096x128xf32>
    %sub3A_20 = vector.broadcast %div3A_17 : vector<4096x1xf32> to vector<4096x128xf32>
    %sub3A_21 = arith.subf %sub3A, %sub3A_20 : vector<4096x128xf32>
    %mul3A = arith.mulf %sub3A_19, %sub3A_21 : vector<4096x128xf32>
    %reduce_sum3A_22 = arith.constant dense<0.000000e+00> : vector<4096xf32>
    %reduce_sum3A_23 = vector.multi_reduction <add>, %mul3A, %reduce_sum3A_22 [1] : vector<4096x128xf32> to vector<4096xf32>
    %broadcast_in_dim3A_24 = vector.shape_cast %reduce_sum3A_23 : vector<4096xf32> to vector<4096x1xf32>
    %div3A_25 = arith.constant 1.280000e+02 : f32
    %div3A_26 = vector.broadcast %div3A_25 : f32 to vector<4096x1xf32>
    %div3A_27 = arith.divf %broadcast_in_dim3A_24, %div3A_26 : vector<4096x1xf32>
    %sub3A_28 = vector.broadcast %div3A_17 : vector<4096x1xf32> to vector<4096x128xf32>
    %sub3A_29 = arith.subf %sub3A, %sub3A_28 : vector<4096x128xf32>
    %add3A = arith.constant 9.99999974E-6 : f32
    %add3A_30 = vector.broadcast %add3A : f32 to vector<4096x1xf32>
    %add3A_31 = arith.addf %div3A_27, %add3A_30 : vector<4096x1xf32>
    %sqrt3A = math.sqrt %add3A_31 : vector<4096x1xf32>
    %div3A_32 = vector.broadcast %sqrt3A : vector<4096x1xf32> to vector<4096x128xf32>
    %div3A_33 = arith.divf %sub3A_29, %div3A_32 : vector<4096x128xf32>
    %reshape3A_34 = vector.shape_cast %div3A_33 : vector<4096x128xf32> to vector<256x16x128xf32>
    %slice3A = vector.extract_strided_slice %get3A_11 {offsets = [0, 0], sizes = [256, 1], strides = [1, 1]} : vector<256x16xf32> to vector<256x1xf32>
    %mul3A_35 = arith.constant -5.000000e-01 : f32
    %mul3A_36 = vector.broadcast %mul3A_35 : f32 to vector<256x1xf32>
    %mul3A_37 = arith.mulf %mul3A_36, %slice3A : vector<256x1xf32>
    %exp3A = math.exp %mul3A_37 : vector<256x1xf32>
    %slice3A_38 = vector.extract_strided_slice %reshape3A_34 {offsets = [0, 0, 0], sizes = [256, 1, 128], strides = [1, 1, 1]} : vector<256x16x128xf32> to vector<256x1x128xf32>
    %squeeze3A = vector.shape_cast %slice3A_38 : vector<256x1x128xf32> to vector<256x128xf32>
    %mul3A_39 = vector.broadcast %exp3A : vector<256x1xf32> to vector<256x128xf32>
    %mul3A_40 = arith.mulf %squeeze3A, %mul3A_39 : vector<256x128xf32>
    %slice3A_41 = vector.extract_strided_slice %get3A_11 {offsets = [0, 1], sizes = [256, 1], strides = [1, 1]} : vector<256x16xf32> to vector<256x1xf32>
    %mul3A_42 = arith.constant -5.000000e-01 : f32
    %mul3A_43 = vector.broadcast %mul3A_42 : f32 to vector<256x1xf32>
    %mul3A_44 = arith.mulf %mul3A_43, %slice3A_41 : vector<256x1xf32>
    %exp3A_45 = math.exp %mul3A_44 : vector<256x1xf32>
    %slice3A_46 = vector.extract_strided_slice %reshape3A_34 {offsets = [0, 1, 0], sizes = [256, 1, 128], strides = [1, 1, 1]} : vector<256x16x128xf32> to vector<256x1x128xf32>
    %squeeze3A_47 = vector.shape_cast %slice3A_46 : vector<256x1x128xf32> to vector<256x128xf32>
    %mul3A_48 = vector.broadcast %exp3A_45 : vector<256x1xf32> to vector<256x128xf32>
    %mul3A_49 = arith.mulf %squeeze3A_47, %mul3A_48 : vector<256x128xf32>
    %add3A_50 = arith.addf %mul3A_40, %mul3A_49 : vector<256x128xf32>
    %slice3A_51 = vector.extract_strided_slice %get3A_11 {offsets = [0, 2], sizes = [256, 1], strides = [1, 1]} : vector<256x16xf32> to vector<256x1xf32>
    %mul3A_52 = arith.constant -5.000000e-01 : f32
    %mul3A_53 = vector.broadcast %mul3A_52 : f32 to vector<256x1xf32>
    %mul3A_54 = arith.mulf %mul3A_53, %slice3A_51 : vector<256x1xf32>
    %exp3A_55 = math.exp %mul3A_54 : vector<256x1xf32>
    %slice3A_56 = vector.extract_strided_slice %reshape3A_34 {offsets = [0, 2, 0], sizes = [256, 1, 128], strides = [1, 1, 1]} : vector<256x16x128xf32> to vector<256x1x128xf32>
    %squeeze3A_57 = vector.shape_cast %slice3A_56 : vector<256x1x128xf32> to vector<256x128xf32>
    %mul3A_58 = vector.broadcast %exp3A_55 : vector<256x1xf32> to vector<256x128xf32>
    %mul3A_59 = arith.mulf %squeeze3A_57, %mul3A_58 : vector<256x128xf32>
    %add3A_60 = arith.addf %add3A_50, %mul3A_59 : vector<256x128xf32>
    %slice3A_61 = vector.extract_strided_slice %get3A_11 {offsets = [0, 3], sizes = [256, 1], strides = [1, 1]} : vector<256x16xf32> to vector<256x1xf32>
    %mul3A_62 = arith.constant -5.000000e-01 : f32
    %mul3A_63 = vector.broadcast %mul3A_62 : f32 to vector<256x1xf32>
    %mul3A_64 = arith.mulf %mul3A_63, %slice3A_61 : vector<256x1xf32>
    %exp3A_65 = math.exp %mul3A_64 : vector<256x1xf32>
    %slice3A_66 = vector.extract_strided_slice %reshape3A_34 {offsets = [0, 3, 0], sizes = [256, 1, 128], strides = [1, 1, 1]} : vector<256x16x128xf32> to vector<256x1x128xf32>
    %squeeze3A_67 = vector.shape_cast %slice3A_66 : vector<256x1x128xf32> to vector<256x128xf32>
    %mul3A_68 = vector.broadcast %exp3A_65 : vector<256x1xf32> to vector<256x128xf32>
    %mul3A_69 = arith.mulf %squeeze3A_67, %mul3A_68 : vector<256x128xf32>
    %add3A_70 = arith.addf %add3A_60, %mul3A_69 : vector<256x128xf32>
    %slice3A_71 = vector.extract_strided_slice %get3A_11 {offsets = [0, 4], sizes = [256, 1], strides = [1, 1]} : vector<256x16xf32> to vector<256x1xf32>
    %mul3A_72 = arith.constant -5.000000e-01 : f32
    %mul3A_73 = vector.broadcast %mul3A_72 : f32 to vector<256x1xf32>
    %mul3A_74 = arith.mulf %mul3A_73, %slice3A_71 : vector<256x1xf32>
    %exp3A_75 = math.exp %mul3A_74 : vector<256x1xf32>
    %slice3A_76 = vector.extract_strided_slice %reshape3A_34 {offsets = [0, 4, 0], sizes = [256, 1, 128], strides = [1, 1, 1]} : vector<256x16x128xf32> to vector<256x1x128xf32>
    %squeeze3A_77 = vector.shape_cast %slice3A_76 : vector<256x1x128xf32> to vector<256x128xf32>
    %mul3A_78 = vector.broadcast %exp3A_75 : vector<256x1xf32> to vector<256x128xf32>
    %mul3A_79 = arith.mulf %squeeze3A_77, %mul3A_78 : vector<256x128xf32>
    %add3A_80 = arith.addf %add3A_70, %mul3A_79 : vector<256x128xf32>
    %slice3A_81 = vector.extract_strided_slice %get3A_11 {offsets = [0, 5], sizes = [256, 1], strides = [1, 1]} : vector<256x16xf32> to vector<256x1xf32>
    %mul3A_82 = arith.constant -5.000000e-01 : f32
    %mul3A_83 = vector.broadcast %mul3A_82 : f32 to vector<256x1xf32>
    %mul3A_84 = arith.mulf %mul3A_83, %slice3A_81 : vector<256x1xf32>
    %exp3A_85 = math.exp %mul3A_84 : vector<256x1xf32>
    %slice3A_86 = vector.extract_strided_slice %reshape3A_34 {offsets = [0, 5, 0], sizes = [256, 1, 128], strides = [1, 1, 1]} : vector<256x16x128xf32> to vector<256x1x128xf32>
    %squeeze3A_87 = vector.shape_cast %slice3A_86 : vector<256x1x128xf32> to vector<256x128xf32>
    %mul3A_88 = vector.broadcast %exp3A_85 : vector<256x1xf32> to vector<256x128xf32>
    %mul3A_89 = arith.mulf %squeeze3A_87, %mul3A_88 : vector<256x128xf32>
    %add3A_90 = arith.addf %add3A_80, %mul3A_89 : vector<256x128xf32>
    %slice3A_91 = vector.extract_strided_slice %get3A_11 {offsets = [0, 6], sizes = [256, 1], strides = [1, 1]} : vector<256x16xf32> to vector<256x1xf32>
    %mul3A_92 = arith.constant -5.000000e-01 : f32
    %mul3A_93 = vector.broadcast %mul3A_92 : f32 to vector<256x1xf32>
    %mul3A_94 = arith.mulf %mul3A_93, %slice3A_91 : vector<256x1xf32>
    %exp3A_95 = math.exp %mul3A_94 : vector<256x1xf32>
    %slice3A_96 = vector.extract_strided_slice %reshape3A_34 {offsets = [0, 6, 0], sizes = [256, 1, 128], strides = [1, 1, 1]} : vector<256x16x128xf32> to vector<256x1x128xf32>
    %squeeze3A_97 = vector.shape_cast %slice3A_96 : vector<256x1x128xf32> to vector<256x128xf32>
    %mul3A_98 = vector.broadcast %exp3A_95 : vector<256x1xf32> to vector<256x128xf32>
    %mul3A_99 = arith.mulf %squeeze3A_97, %mul3A_98 : vector<256x128xf32>
    %add3A_100 = arith.addf %add3A_90, %mul3A_99 : vector<256x128xf32>
    %slice3A_101 = vector.extract_strided_slice %get3A_11 {offsets = [0, 7], sizes = [256, 1], strides = [1, 1]} : vector<256x16xf32> to vector<256x1xf32>
    %mul3A_102 = arith.constant -5.000000e-01 : f32
    %mul3A_103 = vector.broadcast %mul3A_102 : f32 to vector<256x1xf32>
    %mul3A_104 = arith.mulf %mul3A_103, %slice3A_101 : vector<256x1xf32>
    %exp3A_105 = math.exp %mul3A_104 : vector<256x1xf32>
    %slice3A_106 = vector.extract_strided_slice %reshape3A_34 {offsets = [0, 7, 0], sizes = [256, 1, 128], strides = [1, 1, 1]} : vector<256x16x128xf32> to vector<256x1x128xf32>
    %squeeze3A_107 = vector.shape_cast %slice3A_106 : vector<256x1x128xf32> to vector<256x128xf32>
    %mul3A_108 = vector.broadcast %exp3A_105 : vector<256x1xf32> to vector<256x128xf32>
    %mul3A_109 = arith.mulf %squeeze3A_107, %mul3A_108 : vector<256x128xf32>
    %add3A_110 = arith.addf %add3A_100, %mul3A_109 : vector<256x128xf32>
    %slice3A_111 = vector.extract_strided_slice %get3A_11 {offsets = [0, 8], sizes = [256, 1], strides = [1, 1]} : vector<256x16xf32> to vector<256x1xf32>
    %mul3A_112 = arith.constant -5.000000e-01 : f32
    %mul3A_113 = vector.broadcast %mul3A_112 : f32 to vector<256x1xf32>
    %mul3A_114 = arith.mulf %mul3A_113, %slice3A_111 : vector<256x1xf32>
    %exp3A_115 = math.exp %mul3A_114 : vector<256x1xf32>
    %slice3A_116 = vector.extract_strided_slice %reshape3A_34 {offsets = [0, 8, 0], sizes = [256, 1, 128], strides = [1, 1, 1]} : vector<256x16x128xf32> to vector<256x1x128xf32>
    %squeeze3A_117 = vector.shape_cast %slice3A_116 : vector<256x1x128xf32> to vector<256x128xf32>
    %mul3A_118 = vector.broadcast %exp3A_115 : vector<256x1xf32> to vector<256x128xf32>
    %mul3A_119 = arith.mulf %squeeze3A_117, %mul3A_118 : vector<256x128xf32>
    %add3A_120 = arith.addf %add3A_110, %mul3A_119 : vector<256x128xf32>
    %slice3A_121 = vector.extract_strided_slice %get3A_11 {offsets = [0, 9], sizes = [256, 1], strides = [1, 1]} : vector<256x16xf32> to vector<256x1xf32>
    %mul3A_122 = arith.constant -5.000000e-01 : f32
    %mul3A_123 = vector.broadcast %mul3A_122 : f32 to vector<256x1xf32>
    %mul3A_124 = arith.mulf %mul3A_123, %slice3A_121 : vector<256x1xf32>
    %exp3A_125 = math.exp %mul3A_124 : vector<256x1xf32>
    %slice3A_126 = vector.extract_strided_slice %reshape3A_34 {offsets = [0, 9, 0], sizes = [256, 1, 128], strides = [1, 1, 1]} : vector<256x16x128xf32> to vector<256x1x128xf32>
    %squeeze3A_127 = vector.shape_cast %slice3A_126 : vector<256x1x128xf32> to vector<256x128xf32>
    %mul3A_128 = vector.broadcast %exp3A_125 : vector<256x1xf32> to vector<256x128xf32>
    %mul3A_129 = arith.mulf %squeeze3A_127, %mul3A_128 : vector<256x128xf32>
    %add3A_130 = arith.addf %add3A_120, %mul3A_129 : vector<256x128xf32>
    %slice3A_131 = vector.extract_strided_slice %get3A_11 {offsets = [0, 10], sizes = [256, 1], strides = [1, 1]} : vector<256x16xf32> to vector<256x1xf32>
    %mul3A_132 = arith.constant -5.000000e-01 : f32
    %mul3A_133 = vector.broadcast %mul3A_132 : f32 to vector<256x1xf32>
    %mul3A_134 = arith.mulf %mul3A_133, %slice3A_131 : vector<256x1xf32>
    %exp3A_135 = math.exp %mul3A_134 : vector<256x1xf32>
    %slice3A_136 = vector.extract_strided_slice %reshape3A_34 {offsets = [0, 10, 0], sizes = [256, 1, 128], strides = [1, 1, 1]} : vector<256x16x128xf32> to vector<256x1x128xf32>
    %squeeze3A_137 = vector.shape_cast %slice3A_136 : vector<256x1x128xf32> to vector<256x128xf32>
    %mul3A_138 = vector.broadcast %exp3A_135 : vector<256x1xf32> to vector<256x128xf32>
    %mul3A_139 = arith.mulf %squeeze3A_137, %mul3A_138 : vector<256x128xf32>
    %add3A_140 = arith.addf %add3A_130, %mul3A_139 : vector<256x128xf32>
    %slice3A_141 = vector.extract_strided_slice %get3A_11 {offsets = [0, 11], sizes = [256, 1], strides = [1, 1]} : vector<256x16xf32> to vector<256x1xf32>
    %mul3A_142 = arith.constant -5.000000e-01 : f32
    %mul3A_143 = vector.broadcast %mul3A_142 : f32 to vector<256x1xf32>
    %mul3A_144 = arith.mulf %mul3A_143, %slice3A_141 : vector<256x1xf32>
    %exp3A_145 = math.exp %mul3A_144 : vector<256x1xf32>
    %slice3A_146 = vector.extract_strided_slice %reshape3A_34 {offsets = [0, 11, 0], sizes = [256, 1, 128], strides = [1, 1, 1]} : vector<256x16x128xf32> to vector<256x1x128xf32>
    %squeeze3A_147 = vector.shape_cast %slice3A_146 : vector<256x1x128xf32> to vector<256x128xf32>
    %mul3A_148 = vector.broadcast %exp3A_145 : vector<256x1xf32> to vector<256x128xf32>
    %mul3A_149 = arith.mulf %squeeze3A_147, %mul3A_148 : vector<256x128xf32>
    %add3A_150 = arith.addf %add3A_140, %mul3A_149 : vector<256x128xf32>
    %slice3A_151 = vector.extract_strided_slice %get3A_11 {offsets = [0, 12], sizes = [256, 1], strides = [1, 1]} : vector<256x16xf32> to vector<256x1xf32>
    %mul3A_152 = arith.constant -5.000000e-01 : f32
    %mul3A_153 = vector.broadcast %mul3A_152 : f32 to vector<256x1xf32>
    %mul3A_154 = arith.mulf %mul3A_153, %slice3A_151 : vector<256x1xf32>
    %exp3A_155 = math.exp %mul3A_154 : vector<256x1xf32>
    %slice3A_156 = vector.extract_strided_slice %reshape3A_34 {offsets = [0, 12, 0], sizes = [256, 1, 128], strides = [1, 1, 1]} : vector<256x16x128xf32> to vector<256x1x128xf32>
    %squeeze3A_157 = vector.shape_cast %slice3A_156 : vector<256x1x128xf32> to vector<256x128xf32>
    %mul3A_158 = vector.broadcast %exp3A_155 : vector<256x1xf32> to vector<256x128xf32>
    %mul3A_159 = arith.mulf %squeeze3A_157, %mul3A_158 : vector<256x128xf32>
    %add3A_160 = arith.addf %add3A_150, %mul3A_159 : vector<256x128xf32>
    %slice3A_161 = vector.extract_strided_slice %get3A_11 {offsets = [0, 13], sizes = [256, 1], strides = [1, 1]} : vector<256x16xf32> to vector<256x1xf32>
    %mul3A_162 = arith.constant -5.000000e-01 : f32
    %mul3A_163 = vector.broadcast %mul3A_162 : f32 to vector<256x1xf32>
    %mul3A_164 = arith.mulf %mul3A_163, %slice3A_161 : vector<256x1xf32>
    %exp3A_165 = math.exp %mul3A_164 : vector<256x1xf32>
    %slice3A_166 = vector.extract_strided_slice %reshape3A_34 {offsets = [0, 13, 0], sizes = [256, 1, 128], strides = [1, 1, 1]} : vector<256x16x128xf32> to vector<256x1x128xf32>
    %squeeze3A_167 = vector.shape_cast %slice3A_166 : vector<256x1x128xf32> to vector<256x128xf32>
    %mul3A_168 = vector.broadcast %exp3A_165 : vector<256x1xf32> to vector<256x128xf32>
    %mul3A_169 = arith.mulf %squeeze3A_167, %mul3A_168 : vector<256x128xf32>
    %add3A_170 = arith.addf %add3A_160, %mul3A_169 : vector<256x128xf32>
    %slice3A_171 = vector.extract_strided_slice %get3A_11 {offsets = [0, 14], sizes = [256, 1], strides = [1, 1]} : vector<256x16xf32> to vector<256x1xf32>
    %mul3A_172 = arith.constant -5.000000e-01 : f32
    %mul3A_173 = vector.broadcast %mul3A_172 : f32 to vector<256x1xf32>
    %mul3A_174 = arith.mulf %mul3A_173, %slice3A_171 : vector<256x1xf32>
    %exp3A_175 = math.exp %mul3A_174 : vector<256x1xf32>
    %slice3A_176 = vector.extract_strided_slice %reshape3A_34 {offsets = [0, 14, 0], sizes = [256, 1, 128], strides = [1, 1, 1]} : vector<256x16x128xf32> to vector<256x1x128xf32>
    %squeeze3A_177 = vector.shape_cast %slice3A_176 : vector<256x1x128xf32> to vector<256x128xf32>
    %mul3A_178 = vector.broadcast %exp3A_175 : vector<256x1xf32> to vector<256x128xf32>
    %mul3A_179 = arith.mulf %squeeze3A_177, %mul3A_178 : vector<256x128xf32>
    %add3A_180 = arith.addf %add3A_170, %mul3A_179 : vector<256x128xf32>
    %slice3A_181 = vector.extract_strided_slice %get3A_11 {offsets = [0, 15], sizes = [256, 1], strides = [1, 1]} : vector<256x16xf32> to vector<256x1xf32>
    %mul3A_182 = arith.constant -5.000000e-01 : f32
    %mul3A_183 = vector.broadcast %mul3A_182 : f32 to vector<256x1xf32>
    %mul3A_184 = arith.mulf %mul3A_183, %slice3A_181 : vector<256x1xf32>
    %exp3A_185 = math.exp %mul3A_184 : vector<256x1xf32>
    %slice3A_186 = vector.extract_strided_slice %reshape3A_34 {offsets = [0, 15, 0], sizes = [256, 1, 128], strides = [1, 1, 1]} : vector<256x16x128xf32> to vector<256x1x128xf32>
    %squeeze3A_187 = vector.shape_cast %slice3A_186 : vector<256x1x128xf32> to vector<256x128xf32>
    %mul3A_188 = vector.broadcast %exp3A_185 : vector<256x1xf32> to vector<256x128xf32>
    %mul3A_189 = arith.mulf %squeeze3A_187, %mul3A_188 : vector<256x128xf32>
    %add3A_190 = arith.addf %add3A_180, %mul3A_189 : vector<256x128xf32>
    %div3A_191 = arith.constant 1.600000e+01 : f32
    %div3A_192 = vector.broadcast %div3A_191 : f32 to vector<256x128xf32>
    %div3A_193 = arith.divf %add3A_190, %div3A_192 : vector<256x128xf32>
    %reduce_sum3A_194 = arith.constant dense<0.000000e+00> : vector<256xf32>
    %reduce_sum3A_195 = vector.multi_reduction <add>, %get3A_11, %reduce_sum3A_194 [1] : vector<256x16xf32> to vector<256xf32>
    %broadcast_in_dim3A_196 = vector.shape_cast %reduce_sum3A_195 : vector<256xf32> to vector<256x1xf32>
    %div3A_197 = arith.constant 1.600000e+01 : f32
    %div3A_198 = vector.broadcast %div3A_197 : f32 to vector<256x1xf32>
    %div3A_199 = arith.divf %broadcast_in_dim3A_196, %div3A_198 : vector<256x1xf32>
    %broadcast_in_dim3A_200 = arith.constant 0.000000e+00 : f32
    %broadcast_in_dim3A_201 = vector.broadcast %broadcast_in_dim3A_200 : f32 to vector<256x7xf32>
    %concatenate3A = tpu.concatenate %div3A_193, %div3A_199, %broadcast_in_dim3A_201 in 1 : vector<256x128xf32>, vector<256x1xf32>, vector<256x7xf32> -> vector<256x136xf32>
    %get3A_202 = arith.constant 0 : index
    %get3A_203 = arith.constant 0 : index
    %get3A_204 = vector.load %arg5[%get3A_202, %get3A_203] : memref<136x128xf32, #tpu.memory_space<vmem>>, vector<136x128xf32>
    %dot_general3A = arith.constant dense<0.000000e+00> : vector<256x128xf32>
    %dot_general3A_205 = tpu.matmul %concatenate3A, %get3A_204, %dot_general3A {dimension_numbers = #tpu.dot_dimension_numbers<[1], [0], [0], [1], [0, 0, 1, 1], [], []>, transpose_lhs_hint = false} : vector<256x136xf32>, vector<136x128xf32>, vector<256x128xf32> -> vector<256x128xf32>
    %get3A_206 = arith.constant 0 : index
    %get3A_207 = arith.constant 0 : index
    %get3A_208 = vector.load %arg6[%get3A_206, %get3A_207] : memref<1x128xf32, #tpu.memory_space<vmem>>, vector<1x128xf32>
    %add3A_209 = vector.broadcast %get3A_208 : vector<1x128xf32> to vector<256x128xf32>
    %add3A_210 = arith.addf %dot_general3A_205, %add3A_209 : vector<256x128xf32>
    %mul3A_211 = arith.constant 5.000000e-01 : f32
    %mul3A_212 = vector.broadcast %mul3A_211 : f32 to vector<256x128xf32>
    %mul3A_213 = arith.mulf %mul3A_212, %add3A_210 : vector<256x128xf32>
    %mul3A_214 = arith.constant 0.707106769 : f32
    %mul3A_215 = vector.broadcast %mul3A_214 : f32 to vector<256x128xf32>
    %mul3A_216 = arith.mulf %add3A_210, %mul3A_215 : vector<256x128xf32>
    %erf3A = math.erf %mul3A_216 : vector<256x128xf32>
    %add3A_217 = arith.constant 1.000000e+00 : f32
    %add3A_218 = vector.broadcast %add3A_217 : f32 to vector<256x128xf32>
    %add3A_219 = arith.addf %add3A_218, %erf3A : vector<256x128xf32>
    %mul3A_220 = arith.mulf %mul3A_213, %add3A_219 : vector<256x128xf32>
    %get3A_221 = arith.constant 0 : index
    %get3A_222 = arith.constant 0 : index
    %get3A_223 = vector.load %arg7[%get3A_221, %get3A_222] : memref<128x128xf32, #tpu.memory_space<vmem>>, vector<128x128xf32>
    %dot_general3A_224 = arith.constant dense<0.000000e+00> : vector<256x128xf32>
    %dot_general3A_225 = tpu.matmul %mul3A_220, %get3A_223, %dot_general3A_224 {dimension_numbers = #tpu.dot_dimension_numbers<[1], [0], [0], [1], [0, 0, 1, 1], [], []>, transpose_lhs_hint = false} : vector<256x128xf32>, vector<128x128xf32>, vector<256x128xf32> -> vector<256x128xf32>
    %get3A_226 = arith.constant 0 : index
    %get3A_227 = arith.constant 0 : index
    %get3A_228 = vector.load %arg8[%get3A_226, %get3A_227] : memref<1x128xf32, #tpu.memory_space<vmem>>, vector<1x128xf32>
    %add3A_229 = vector.broadcast %get3A_228 : vector<1x128xf32> to vector<256x128xf32>
    %add3A_230 = arith.addf %dot_general3A_225, %add3A_229 : vector<256x128xf32>
    %swap3A = arith.constant 0 : index
    %swap3A_231 = arith.constant 0 : index
    %swap3A_232 = arith.constant 0 : index
    %swap3A_233 = vector.load %arg9[%swap3A, %swap3A_231, %swap3A_232] : memref<1x256x128xf32, #tpu.memory_space<vmem>>, vector<1x256x128xf32>
    %swap3A_234 = vector.shape_cast %swap3A_233 : vector<1x256x128xf32> to vector<256x128xf32>
    %swap3A_235 = vector.shape_cast %add3A_230 : vector<256x128xf32> to vector<1x256x128xf32>
    tpu.vector_store %arg9[%swap3A, %swap3A_231, %swap3A_232], %swap3A_235 {strides = array<i32>} : memref<1x256x128xf32, #tpu.memory_space<vmem>>, vector<1x256x128xf32>,
    return
  }
  func.func @transform_0(%arg0: i32, %arg1: i32) -> (i32, i32) {
    %mul3A = arith.constant 16 : i32
    %mul3A_0 = arith.muli %arg0, %mul3A : i32
    %add3A = arith.addi %mul3A_0, %arg1 : i32
    %c0_i32 = arith.constant 0 : i32
    %c0_i32_1 = arith.constant 0 : i32
    return %add3A, %c0_i32 : i32, i32
  }
  func.func @transform_1(%arg0: i32, %arg1: i32) -> (i32, i32, i32) {
    %c0_i32 = arith.constant 0 : i32
    %c0_i32_0 = arith.constant 0 : i32
    return %arg0, %arg1, %c0_i32 : i32, i32, i32
  }
  func.func @transform_2(%arg0: i32, %arg1: i32) -> (i32, i32, i32) {
    %c0_i32 = arith.constant 0 : i32
    %c0_i32_0 = arith.constant 0 : i32
    return %arg0, %arg1, %c0_i32 : i32, i32, i32
  }
  func.func @transform_3(%arg0: i32, %arg1: i32) -> (i32, i32) {
    %c0_i32 = arith.constant 0 : i32
    %c0_i32_0 = arith.constant 0 : i32
    %c0_i32_1 = arith.constant 0 : i32
    return %c0_i32, %c0_i32_0 : i32, i32
  }
  func.func @transform_4(%arg0: i32, %arg1: i32) -> (i32, i32) {
    %c0_i32 = arith.constant 0 : i32
    %c0_i32_0 = arith.constant 0 : i32
    %c0_i32_1 = arith.constant 0 : i32
    return %c0_i32, %c0_i32_0 : i32, i32
  }
  func.func @transform_5(%arg0: i32, %arg1: i32) -> (i32, i32) {
    %c0_i32 = arith.constant 0 : i32
    %c0_i32_0 = arith.constant 0 : i32
    %c0_i32_1 = arith.constant 0 : i32
    return %c0_i32, %c0_i32_0 : i32, i32
  }
  func.func @transform_6(%arg0: i32, %arg1: i32) -> (i32, i32) {
    %c0_i32 = arith.constant 0 : i32
    %c0_i32_0 = arith.constant 0 : i32
    %c0_i32_1 = arith.constant 0 : i32
    return %c0_i32, %c0_i32_0 : i32, i32
  }
  func.func @transform_7(%arg0: i32, %arg1: i32) -> (i32, i32, i32) {
    %c0_i32 = arith.constant 0 : i32
    %c0_i32_0 = arith.constant 0 : i32
    return %arg0, %arg1, %c0_i32 : i32, i32, i32
  }
}

</mosaic_0001>

<sc_bundles>
// kernel: kernel.5.cloned.1.call-start
scs
__scs_entry_jumppad:
0x0: {  	(pc) =	sbr.rel $0x88, $3  }
0x1: {  	(tag) =	ssettag $0x0;
	lr =	simm.s32 $0x1  }
0x2: {  	[smem:$0x3F9B] =	sst lr;
	_ =	strace $0xD0000000  }
0x3: {  	_ = 	snop  }
0x4: {  	_ = 	snop  }
0x5: {  	_ = 	snop  }
0x6: {  	_ = 	snop  }
0x7: {  	_ = 	snop  }
__scs_overlays_trampoline_lowered:
0x8: {  	[smem:$0x3FAA] =	sst s0  }
0x9: {  	[smem:$0x3FAB] =	sst s1  }
0xa: {  	[smem:$0x3FAC] =	sst s2  }
0xb: {  	[smem:$0x3FAD] =	sst s3  }
0xc: {  	[smem:$0x3FAE] =	sst s4  }
0xd: {  	[smem:$0x3FAF] =	sst s5  }
0xe: {  	[smem:$0x3FB0] =	sst s6  }
0xf: {  	[smem:$0x3FB1] =	sst s7  }
0x10: {  	[smem:$0x3FB2] =	sst s8  }
0x11: {  	[smem:$0x3FB3] =	sst s9;
	s0 =	simm.s32 @!p0 $0x0  }
0x12: {  	s1 =	sld [smem:$0x3F99];
	s0 =	simm.s32 @p0 $0x1  }
0x13: {  	[smem:$0x3FB4] =	sst s0;
	s0 =	simm.s32 @!p1 $0x0  }
0x14: {  	s2 =	sld [smem:$0x3F98];
	s0 =	simm.s32 @p1 $0x1  }
0x15: {  	[smem:$0x3FB5] =	sst s0;
	s0 =	simm.s32 @!p2 $0x0  }
0x16: {  	s3 =	sld [smem:$0x3FDB];
	s0 =	simm.s32 @p2 $0x1  }
0x17: {  	s4 =	simm.s32 $0x1BF5;
	[smem:$0x3FB7] =	sst s0  }
0x18: {  	s0 =	sld [smem:$0x3F9A];
	_ =	swait.ge [sflag:s4], $0x0  }
0x19: {  	s7 =	sld [smem:$0x3F9B]  }
0x1a: {  	s8 =	sadd.s32 $0xFFFFE003, lr  }
0x1b: {  	s9 =	sadd.s32 $0xFFFFFEF7, lr;
	s5 =	simm.s32 $0xFFFFFFFF;
	p2 =	slt.u32 s8, $0xFFFFF086  }
0x1c: {  	p1 =	slt.u32 s9, $0xF7A;
	s5 =	simm.s32 @!p2 $0x0  }
0x1d: {  	s5 =	simm.s32 @p1 $0x1;
	p0 =	seq.s32 s7, s2  }
0x1e: {  	s7 =	smul.u32 @!p0 $0xF7A, s2;
	p2 =	seq.s32 @!p0 s5, $0x0  }
0x1f: {  	s9 =	smul.u32 $0xF7A, s1;
	s8 =	simm.s32 @!p0 $0x1BF5;
	p2 =	por !p2, p0  }
0x20: {  	[sflag:s8] =	ssyncset.s32 @!p0 $0xFFFFF086;
	s6 =	sadd.s32 @!p0 s3, s7;
	s7 =	simm.s32 @!p0 $0x108  }
0x21: {  	s3 =	sadd.s32 s3, s9;
	s6 =	sadd.s32 @!p0 $0x88, s6;
	s7 =	simm.s32 @p2 $0x1082  }
0x22: {  	[simem:s7], [sflag:s8] =	dma.local @!p0 [hbm:s6], $0xF7A  }
0x23: {  	s9 =	sor.u32 $0xD0000000, s2;
	s6 =	simm.s32 $0x108;
	_ =	swait.ge @!p0 [sflag:s8], $0x0  }
0x24: {  	s3 =	sadd.s32 $0x88, s3;
	s6 =	simm.s32 @!p1 $0x1082;
	[sflag:s4] =	ssyncset.s32 $0xFFFFF086  }
0x25: {  	[simem:s6], [sflag:s4] =	dma.local [hbm:s3], $0xF7A  }
0x26: {  	[smem:$0x3F9B] =	sst s1;
	(tag) =	ssettag s2;
	_ =	strace s9  }
0x27: {  	s1 =	sld [smem:$0x3FAB]  }
0x28: {  	s2 =	sld [smem:$0x3FAC]  }
0x29: {  	s4 =	sld [smem:$0x3FAE]  }
0x2a: {  	p0 =	seq.s32 s5, $0x0;
	s5 =	sld [smem:$0x3FAF]  }
0x2b: {  	s6 =	sld [smem:$0x3FB0]  }
0x2c: {  	s7 =	sld [smem:$0x3FB1]  }
0x2d: {  	s3 =	simm.s32 $0x108;
	s8 =	sld [smem:$0x3FB2]  }
0x2e: {  	s3 =	simm.s32 @!p0 $0x1082;
	s9 =	sld [smem:$0x3FB3]  }
0x2f: {  	lr =	sadd.s32 s0, s3;
	s0 =	sld [smem:$0x3FAA]  }
0x30: {  	s3 =	sld [smem:$0x3FAD]  }
0x31: {  	[smem:$0x3FB6] =	sst s10  }
0x32: {  	s10 =	sld [smem:$0x3FB4];
	_ =	sdelay $0x3  }
0x33: {  	p0 =	seq.s32 s10, $0x1;
	s10 =	sld [smem:$0x3FB6];
	_ =	sdelay $0x3  }
0x34: {  	[smem:$0x3FB6] =	sst s10  }
0x35: {  	s10 =	sld [smem:$0x3FB5];
	_ =	sdelay $0x3  }
0x36: {  	p1 =	seq.s32 s10, $0x1;
	s10 =	sld [smem:$0x3FB6];
	_ =	sdelay $0x3  }
0x37: {  	[smem:$0x3FB6] =	sst s10  }
0x38: {  	s10 =	sld [smem:$0x3FB7]  }
0x39: {  	_ = 	snop;
	(pc) =	sbr.ind lr, $3  }
0x3a: {  	_ = 	snop  }
0x3b: {  	_ = 	snop  }
0x3c: {  	p2 =	seq.s32 s10, $0x1;
	s10 =	sld [smem:$0x3FB6]  }
0x3d: {  	_ =	shalt  }
0x3e: {  	_ =	shalt  }
0x3f: {  	_ =	shalt  }
0x40: {  	_ =	shalt  }
0x41: {  	_ =	shalt  }
0x42: {  	_ =	shalt  }
0x43: {  	_ =	shalt  }
0x44: {  	_ =	shalt  }
0x45: {  	_ =	shalt  }
0x46: {  	_ =	shalt  }
0x47: {  	_ =	shalt  }
0x48: {  	_ =	shalt  }
0x49: {  	_ =	shalt  }
0x4a: {  	_ =	shalt  }
0x4b: {  	_ =	shalt  }
0x4c: {  	_ =	shalt  }
0x4d: {  	_ =	shalt  }
0x4e: {  	_ =	shalt  }
0x4f: {  	_ =	shalt  }
0x50: {  	_ =	shalt  }
0x51: {  	_ =	shalt  }
0x52: {  	_ =	shalt  }
0x53: {  	_ =	shalt  }
0x54: {  	_ =	shalt  }
0x55: {  	_ =	shalt  }
0x56: {  	_ =	shalt  }
0x57: {  	_ =	shalt  }
0x58: {  	_ =	shalt  }
0x59: {  	_ =	shalt  }
0x5a: {  	_ =	shalt  }
0x5b: {  	_ =	shalt  }
0x5c: {  	_ =	shalt  }
0x5d: {  	_ =	shalt  }
0x5e: {  	_ =	shalt  }
0x5f: {  	_ =	shalt  }
0x60: {  	_ =	shalt  }
0x61: {  	_ =	shalt  }
0x62: {  	_ =	shalt  }
0x63: {  	_ =	shalt  }
0x64: {  	_ =	shalt  }
0x65: {  	_ =	shalt  }
0x66: {  	_ =	shalt  }
0x67: {  	_ =	shalt  }
0x68: {  	_ =	shalt  }
0x69: {  	_ =	shalt  }
0x6a: {  	_ =	shalt  }
0x6b: {  	_ =	shalt  }
0x6c: {  	_ =	shalt  }
0x6d: {  	_ =	shalt  }
0x6e: {  	_ =	shalt  }
0x6f: {  	_ =	shalt  }
0x70: {  	_ =	shalt  }
0x71: {  	_ =	shalt  }
0x72: {  	_ =	shalt  }
0x73: {  	_ =	shalt  }
0x74: {  	_ =	shalt  }
0x75: {  	_ =	shalt  }
0x76: {  	_ =	shalt  }
0x77: {  	_ =	shalt  }
0x78: {  	_ =	shalt  }
0x79: {  	_ =	shalt  }
0x7a: {  	_ =	shalt  }
0x7b: {  	_ =	shalt  }
0x7c: {  	_ =	shalt  }
0x7d: {  	_ =	shalt  }
0x7e: {  	_ =	shalt  }
0x7f: {  	_ =	shalt  }
0x80: {  	_ =	shalt  }
0x81: {  	_ =	shalt  }
0x82: {  	_ =	shalt  }
0x83: {  	_ =	shalt  }
0x84: {  	_ =	shalt  }
0x85: {  	_ =	shalt  }
0x86: {  	_ =	shalt  }
0x87: {  	_ =	shalt  }
.Lfunc_end0:
.L_simem_size_0:
called_computation_lowered:
.L_overlay_start_0:
0x88: {  	s2 =	sld [smem:$0x3FD9]  }
0x89: {  	s3 =	sld [smem:$0x3FFE];
	_ =	sdelay $0x1  }
0x8a: {  	s1 =	srdreg.scid  }
0x8b: {  	s0 =	sand.u32 $0x1, s1  }
0x8c: {  	s17 =	sshll.u32 s0, $0xA;
	s2 =	sadd.s32 s3, s2  }
0x8d: {  	s2 =	sadd.s32 s2, s17  }
0x8e: {  	[smem:$0x3FC2] =	sst s2  }
0x8f: {  	_ = 	snop  }
0x90: {  	s2 =	sld [smem:$0x3FC8]  }
0x91: {  	s18 =	sld [smem:$0x3FD0];
	(tm) =	ssettm $0x1  }
0x92: {  	s4 =	sld [smem:$0x3FFB];
	_ =	sdelay $0x3  }
0x93: {  	_ =	strace s4  }
0x94: {  	s4 =	sld [smem:$0x3FFC];
	_ =	sdelay $0x3  }
0x95: {  	_ =	strace s4  }
0x96: {  	s4 =	sld [smem:$0x3FFD];
	_ =	sdelay $0x3  }
0x97: {  	_ =	strace s4  }
0x98: {  	_ =	strace $0x8FFFFFFF  }
0x99: {  	s19 =	sld [smem:$0x3FDB];
	_ =	sdelay $0x1  }
0x9a: {  	s5 =	simm.s32 $_scs_section_size  }
0x9b: {  	s6 =	simm.s32 $_size__tile_overlayer_lowered;
	s7 =	simm.s32 $_tile_overlayer_lowered  }
0x9c: {  	s22 =	simm.s32 $0x1BFF;
	s21 =	sshll.u32 s7, $0x1;
	s4 =	sadd.s32 s5, s19  }
0x9d: {  	s8 =	simm.s32 $0x0;
	s20 =	sshll.u32 s6, $0x1;
	s6 =	sadd.s32 s21, s4  }
0x9e: {  	[timem:s8], [sflag:s22] =	dma.local [hbm:s6], s20  }
0x9f: {  	_ =	swait.ge [sflag:s22], s20  }
0xa0: {  	s5 =	ssub.s32 $0x0, s20;
	[sflag:s22] =	ssyncset.done $0x0  }
0xa1: {  	[sflag:s22] =	ssyncadd.s32 s5;
	_ =	sdelay $0x1  }
0xa2: {  	s23 =	simm.s32 $0x1B8B  }
0xa3: {  	_ =	swait.ge [sflag:s23], $0x1  }
0xa4: {  	[sflag:s23] =	ssyncset.done $0x0  }
0xa5: {  	s25 =	simm.s32 $0x1B8E;
	s24 =	sld [smem:$0x3FFE];
	[sflag:s23] =	ssyncadd.s32 $0xFFFFFFFF  }
0xa6: {  	s26 =	simm.s32 $execute0_lowered;
	[smem:$0x3FD2] =	sst s25  }
0xa7: {  	s6 =	sshll.u32 s26, $0x1;
	_ =	strace $0x80000046;
	[dreg:$0x1] =	wrdreg $0xFFFFFFFF  }
0xa8: {  	s28 =	simm.s32 $_size_execute0_lowered;
	s4 =	sadd.s32 s4, s6;
	[dreg:$0x0] =	wrdreg $0x0  }
0xa9: {  	s6 =	sshll.u32 s28, $0x1;
	[dreg:$0x2] =	wrdreg s4  }
0xaa: {  	[dreg:$0x3] =	wrdreg s6  }
0xab: {  	[dreg:$0x4] =	wrdreg $0xC0  }
0xac: {  	_ =	task [dreg:s8], $0x5FFFF  }
0xad: {  	[dreg:$0x1] =	wrdreg $0xFFFFFFFF  }
0xae: {  	[dreg:$0x0] =	wrdreg $0x60  }
0xaf: {  	[dreg:$0x2] =	wrdreg s2  }
0xb0: {  	[dreg:$0x3] =	wrdreg s18  }
0xb1: {  	[dreg:$0x4] =	wrdreg s24  }
0xb2: {  	[dreg:$0x5] =	wrdreg $0x9  }
0xb3: {  	_ =	task.clear_ibuf [dreg:s8], $0x6FFFF;
	_ =	strace $0x90000046  }
0xb4: {  	s29 =	simm.s32 $0x9;
	_ =	strace $0x80000048  }
0xb5: {  	_ =	swait.ge [sflag:s29], $0x1  }
0xb6: {  	[sflag:s29] =	ssyncadd.s32 $0xFFFFFFFF  }
0xb7: {  	_ =	strace $0x90000048  }
0xb8: {  	_ =	sfence  }
0xb9: {  	s30 =	sld [smem:$0x0];
	_ =	sdelay $0x2  }
0xba: {  	s31 =	sshll.u32 s1, $0xD;
	s1 =	sshrl.u32 s1, $0x2  }
0xbb: {  	s3 =	sand.u32 $0x4000, s31;
	s1 =	sadd.s32 s1, s30  }
0xbc: {  	s0 =	sor.u32 s3, s0;
	s1 =	sshll.u32 s1, $0x11  }
0xbd: {  	s0 =	sor.u32 s1, s0  }
0xbe: {  	s0 =	sadd.s32 $0x8F2B, s0  }
0xbf: {  	[sflag:s0] =	ssyncadd.remote.s32 $0x1  }
0xc0: {  	_ =	sfence.sel $0xFFFF  }
0xc1: {  	[dreg:$0x0] =	wrdreg $0xFFFFFFFF;
	(pc) =	sbr.abs _section_cstart, $3  }
0xc2: {  	[dreg:$0x1] =	wrdreg $0xFFFFFFFF  }
0xc3: {  	_ =	task.clear_ibuf [dreg:s8], $0x2FFFF;
	_ =	strace $0x9FFFFFFF  }
0xc4: {  	(tm) =	ssettm $0x7FFFFFFF  }
0xc5: {  	_ =	shalt  }
tec
execute0_lowered:
.L_overlay_start_1:
0x0: {  	(tag) =	ssettag $0x1  }
0x1: {  	s1 =	rddreg [dreg:$0x0]  }
0x2: {  	s4 =	rddreg [dreg:$0x1]  }
0x3: {  	s5 =	rddreg [dreg:$0x2]  }
0x4: {  	s0 =	rddreg [dreg:$0x3];
	s6 =	srdreg.scid  }
0x5: {  	s3 =	simm.s32 $0x0;
	s2 =	stileid.u32;
	s11 =	simm.s32 $0x5000  }
0x6: {  	s12 =	simm.s32 $0x0;
	s7 =	sand.u32 $0x1, s6;
	[smem:$0x7FF] =	sst s3  }
0x7: {  	s28 =	sshll.u32 s2, $0xD;
	s29 =	sadd.s32 $0x1000, s5;
	s31 =	sshll.u32 s2, $0x11  }
0x8: {  	s8 =	sshll.u32 s7, $0xC;
	_ =	strace $0x80000047;
	s9 =	ssub.s32 $0x2, s7  }
0x9: {  	s7 =	sshll.u32 s7, $0x10;
	s6 =	sor.u32 s8, s28;
	s30 =	sshrl.u32 s9, $0x1  }
0xa: {  	s8 =	sadd.s32 s31, s29;
	s10 =	sshrl.u32 s6, $0x3;
	s5 =	ssub.s32 s9, s30  }
0xb: {  	s6 =	sshll.u32 s6, $0x4;
	s7 =	sadd.s32 s7, s8;
	s8 =	simm.s32 $0x3  }
0xc: {  	s9 =	simm.s32 $0x1000;
	s4 =	sadd.s32 s4, s10;
	s6 =	sadd.s32 s29, s6  }
0xd: {  	s5 =	smax.u32 s5, $0x1;
	s10 =	simm.s32 $0x2;
	s6 =	sadd.s32 $0xF800, s6  }
.LBB2_1:
0xe: {  	[tilespmem:s3], [sflag:$0x3] =	stream.linear.gather [hbm4b:s4+s3], $0x1000, $0x38;
	[tilespmem:$0x9000] =	vst v63  }
0xf: {  	_ =	swait.ge [sflag:s8], $0x1000  }
0x10: {  	s14 =	sand.u32 $0x1, s3;
	[sflag:s8] =	ssyncset.done $0x0  }
0x11: {  	s13 =	simm.s32 $0x80;
	p0 =	seq.s32 s14, $0x1;
	[sflag:s8] =	ssyncadd.s32 $0xFFFFF000  }
0x12: {  	[tilespmem:s9], [sflag:$0x1] =	stream.indirect.gather [hbm4b:s1+s13], $0x80, s3, s13, $0xb8;
	[tilespmem:$0x9000] =	vst v63  }
0x13: {  	s14 =	simm.s32 @p0 $0x80;
	s15 =	simm.s32 @p0 $0x1000;
	s16 =	simm.s32 @p0 $0x2  }
0x14: {  	[tilespmem:s15], [sflag:$0x1] =	stream.indirect.gather @p0 [hbm4b:s1+s14], $0x80, s13, s14, $0xb8;
	[tilespmem:$0x9000] =	vst v63  }
0x15: {  	_ =	swait.ge @p0 [sflag:s16], $0x4000  }
0x16: {  	[sflag:s16] =	ssyncset.done @p0 $0x0  }
0x17: {  	s14 =	simm.s32 @p0 $0x0;
	s15 =	simm.s32 @p0 $0x5000;
	[sflag:s16] =	ssyncadd.s32 @p0 $0xFFFFC000  }
0x18: {  	[hbm4b:s7+s14] =	stream.linear.scatter @p0 [tilespmem:s15], [sflag:$0x3], $0x4000, $0x38;
	[tilespmem:$0x9000] =	vst v63  }
0x19: {  	s17 =	simm.s32 @!p0 $0x1;
	s14 =	simm.s32 @!p0 $0x80;
	s15 =	simm.s32 @!p0 $0x5000  }
0x1a: {  	[tilespmem:s15], [sflag:$0x2] =	stream.indirect.gather @!p0 [hbm4b:s1+s14], $0x80, s13, s14, $0xb8;
	[tilespmem:$0x9000] =	vst v63  }
0x1b: {  	s16 =	simm.s32 @!p0 $0x4;
	_ =	swait.ge @!p0 [sflag:s17], $0x4000  }
0x1c: {  	s31 =	simm.s32 $0x1;
	s16 =	simm.s32 @p0 $0x3;
	[sflag:s17] =	ssyncset.done @!p0 $0x0  }
0x1d: {  	s14 =	simm.s32 @!p0 $0x1000;
	[sflag:s17] =	ssyncadd.s32 @!p0 $0xFFFFC000;
	s17 =	simm.s32 @!p0 $0x0  }
0x1e: {  	[hbm4b:s7+s17] =	stream.linear.scatter @!p0 [tilespmem:s14], [sflag:$0x4], $0x4000, $0x38;
	[tilespmem:$0x9000] =	vst v63  }
0x1f: {  	s15 =	simm.s32 $0x2;
	s13 =	sand.u32 $0x1, s31;
	s14 =	simm.s32 $0x100  }
0x20: {  	p0 =	seq.s32 s13, $0x1;
	s13 =	sadd.s32 $0x800, s7;
	_ =	swait.ge [sflag:s16], $0x4000  }
.LBB2_2:
0x21: {  	s17 =	simm.s32 @p0 $0x80;
	s18 =	simm.s32 @p0 $0x1000  }
0x22: {  	[sflag:s16] =	ssyncset.done $0x0;
	s19 =	smov.u32 s15;
	s20 =	smov.u32 s14  }
0x23: {  	s15 =	sadd.s32 $0x1, s15;
	s21 =	simm.s32 @p0 $0x2;
	[sflag:s16] =	ssyncadd.s32 $0xFFFFC000  }
0x24: {  	[tilespmem:s18], [sflag:$0x1] =	stream.indirect.gather @p0 [hbm4b:s1+s17], $0x80, s14, s17, $0xb8;
	[tilespmem:$0x9000] =	vst v63  }
0x25: {  	p1 =	sne.s32 s15, $0x1F;
	_ =	swait.ge @p0 [sflag:s21], $0x4000  }
0x26: {  	s14 =	sadd.s32 $0x80, s14;
	[sflag:s21] =	ssyncset.done @p0 $0x0  }
0x27: {  	s16 =	simm.s32 @p0 $0x0;
	s17 =	simm.s32 @p0 $0x5000;
	[sflag:s21] =	ssyncadd.s32 @p0 $0xFFFFC000  }
0x28: {  	[hbm4b:s13+s16] =	stream.linear.scatter @p0 [tilespmem:s17], [sflag:$0x3], $0x4000, $0x38;
	[tilespmem:$0x9000] =	vst v63  }
0x29: {  	s18 =	simm.s32 @!p0 $0x1;
	s16 =	simm.s32 @!p0 $0x80;
	s17 =	simm.s32 @!p0 $0x5000  }
0x2a: {  	[tilespmem:s17], [sflag:$0x2] =	stream.indirect.gather @!p0 [hbm4b:s1+s16], $0x80, s20, s16, $0xb8;
	[tilespmem:$0x9000] =	vst v63  }
.Ltmp0:
0x2b: {  	s17 =	sand.u32 $0x1, s19;
	_ =	swait.ge @!p0 [sflag:s18], $0x4000;
	(pc) =	sbr.rel @p1 .LBB2_2-.Ltmp0, $4  }
0x2c: {  	s19 =	simm.s32 @!p0 $0x1000;
	s16 =	simm.s32 @!p0 $0x4;
	[sflag:s18] =	ssyncset.done @!p0 $0x0  }
0x2d: {  	s16 =	simm.s32 @p0 $0x3;
	[sflag:s18] =	ssyncadd.s32 @!p0 $0xFFFFC000;
	s18 =	simm.s32 @!p0 $0x0  }
0x2e: {  	[hbm4b:s13+s18] =	stream.linear.scatter @!p0 [tilespmem:s19], [sflag:$0x4], $0x4000, $0x38;
	[tilespmem:$0x9000] =	vst v63  }
0x2f: {  	p0 =	seq.s32 s17, $0x1;
	s13 =	sadd.s32 $0x800, s13;
	_ =	swait.ge [sflag:s16], $0x4000  }
0x30: {  	s15 =	simm.s32 @p0 $0x80;
	[sflag:s16] =	ssyncset.done $0x0  }
0x31: {  	s17 =	simm.s32 @p0 $0x1000;
	s18 =	simm.s32 @p0 $0x2;
	[sflag:s16] =	ssyncadd.s32 $0xFFFFC000  }
0x32: {  	[tilespmem:s17], [sflag:$0x1] =	stream.indirect.gather @p0 [hbm4b:s1+s15], $0x80, s14, s15, $0xb8;
	[tilespmem:$0x9000] =	vst v63  }
0x33: {  	_ =	swait.ge @p0 [sflag:s18], $0x4000  }
0x34: {  	[sflag:s18] =	ssyncset.done @p0 $0x0  }
0x35: {  	s16 =	simm.s32 @p0 $0x5000;
	s15 =	simm.s32 @p0 $0x0;
	[sflag:s18] =	ssyncadd.s32 @p0 $0xFFFFC000  }
0x36: {  	[hbm4b:s13+s15] =	stream.linear.scatter @p0 [tilespmem:s16], [sflag:$0x3], $0x4000, $0x38;
	[tilespmem:$0x9000] =	vst v63  }
0x37: {  	s17 =	simm.s32 @!p0 $0x1;
	s15 =	simm.s32 @!p0 $0x80;
	s16 =	simm.s32 @!p0 $0x5000  }
0x38: {  	[tilespmem:s16], [sflag:$0x2] =	stream.indirect.gather @!p0 [hbm4b:s1+s15], $0x80, s14, s15, $0xb8;
	[tilespmem:$0x9000] =	vst v63  }
0x39: {  	_ =	swait.ge @!p0 [sflag:s17], $0x4000  }
0x3a: {  	s14 =	simm.s32 @!p0 $0x1000;
	s15 =	simm.s32 @!p0 $0x4;
	[sflag:s17] =	ssyncset.done @!p0 $0x0  }
0x3b: {  	s16 =	simm.s32 @!p0 $0x0;
	s15 =	simm.s32 @p0 $0x3;
	[sflag:s17] =	ssyncadd.s32 @!p0 $0xFFFFC000  }
0x3c: {  	[hbm4b:s13+s16] =	stream.linear.scatter @!p0 [tilespmem:s14], [sflag:$0x4], $0x4000, $0x38;
	[tilespmem:$0x9000] =	vst v63  }
0x3d: {  	_ =	swait.ge [sflag:s15], $0x4000  }
0x3e: {  	[sflag:s15] =	ssyncset.done $0x0  }
0x3f: {  	[sflag:s15] =	ssyncadd.s32 $0xFFFFC000  }
0x40: {  	s12 =	sadd.s32 $0x1, s12;
	_ =	swait.ge [sflag:s10], $0x4000  }
0x41: {  	p0 =	sne.s32 s12, s5;
	[sflag:s10] =	ssyncset.done $0x0  }
.Ltmp1:
0x42: {  	[sflag:s10] =	ssyncadd.s32 $0xFFFFC000;
	(pc) =	sbr.rel @p0 .LBB2_1-.Ltmp1, $4  }
0x43: {  	[hbm4b:s6+s3] =	stream.linear.scatter [tilespmem:s11], [sflag:$0x3], $0x4000, $0x38;
	[tilespmem:$0x9000] =	vst v63  }
0x44: {  	_ =	swait.ge [sflag:s8], $0x4000  }
0x45: {  	[sflag:s8] =	ssyncset.done $0x0  }
0x46: {  	[sflag:s8] =	ssyncadd.s32 $0xFFFFC000  }
0x47: {  	_ =	sfence.sel $0x180000  }
0x48: {  	[bflag:$0x0] =	sbarrier.arrive $0xFFFF  }
0x49: {  	p0 =	sne.s32 s2, $0x0;
	_ =	strace $0x90000047  }
0x4a: {  	s0 =	sadd.s32 @!p0 $0x100000, s0;
	[bflag:$0x2] =	sbarrier.arrive $0xFFFF  }
0x4b: {  	[sflag:s0] =	ssyncadd.tile.s32 @!p0 $0x1;
	_ =	shalt  }
.Lfunc_end2:
_tile_overlayer_lowered:
.L_overlay_start_2:
0x4c: {  	(tag) =	ssettag $0x2  }
0x4d: {  	s0 =	rddreg [dreg:$0x0];
	s2 =	stileid.u32  }
0x4e: {  	s1 =	rddreg [dreg:$0x1];
	p0 =	sne.s32 s2, $0x0  }
0x4f: {  	s3 =	rddreg [dreg:$0x2];
	[bflag:$0x3] =	sbarrier.arrive $0xFFFF;
	s2 =	simm.s32 @!p0 $0x1C03  }
0x50: {  	[timem:s3], [sflag:s2] =	dma.local @!p0 [hbm:s0], s1  }
0x51: {  	s0 =	simm.s32 @!p0 $0x3  }
0x52: {  	_ =	swait.ge @!p0 [sflag:s0], s1  }
0x53: {  	s1 =	ssub.s32 @!p0 $0x0, s1;
	[sflag:s0] =	ssyncset.done @!p0 $0x0  }
0x54: {  	[sflag:s0] =	ssyncadd.s32 @!p0 s1  }
0x55: {  	[bflag:$0x3] =	sbarrier.arrive $0xFFFF  }
0x56: {  	_ =	shalt  }

</sc_bundles>
